<compile_context>
chip_gen: v7x
topology: tpu7x:2x2x1
jax: 0.10.2.dev20260603
libtpu: 0.0.44.dev20260713+nightly
codegen_flags: <defaults>
</compile_context>

<pallas_src>
import functools

import jax
import jax.numpy as jnp
import numpy as np
from jax import lax
from jax.experimental import pallas as pl
from jax.experimental.pallas import tpu as pltpu
from jax.experimental.pallas import tpu_sc as plsc

N = 50000
DIN = 128
HID = 16
H = 4
DOUT = 2
NEG = 0.2

TSTRIPE = 3128
NPAD = 16 * TSTRIPE
RBLK = 2000
NBLK = N // RBLK

E = 400000
CHUNK = 256
CPT = 98
EPT = CHUNK * CPT
EPAD = 16 * EPT
OUT_STRIDE = 52000
OROWS = 136
OCHUNKS = TSTRIPE // OROWS

PBLK = RBLK // 8
NPACK = NPAD // 8
OPACK = OUT_STRIDE // 8
R1PBLK = OPACK // PBLK

_G128 = np.asarray(
    (np.arange(128)[:, None] // 4) == (np.arange(128)[None, :] // 4),
    dtype=np.float32)


def _split3(x):
    hi = x.astype(jnp.bfloat16)
    lo = (x - hi.astype(jnp.float32)).astype(jnp.bfloat16)
    return hi, lo


def _dot3(xh, xl, wh, wl):
    return (jnp.dot(xh, wh, preferred_element_type=jnp.float32)
            + jnp.dot(xh, wl, preferred_element_type=jnp.float32)
            + jnp.dot(xl, wh, preferred_element_type=jnp.float32))


XBLK = 256


def _proj_body(x_ref, wh_ref, wl_ref, atts_ref, attd_ref, g128_ref,
               h_ref, as_ref, ad_ref, m_ref, mx_ref):
    i = pl.program_id(0)
    xh, xl = _split3(x_ref[...])
    h = _dot3(xh, xl, wh_ref[...], wl_ref[...])
    h_ref[...] = h
    g = g128_ref[...]
    tsh, tsl = _split3(h * atts_ref[...])
    tdh, tdl = _split3(h * attd_ref[...])
    as16 = (jnp.dot(tsh, g, preferred_element_type=jnp.float32)
            + jnp.dot(tsl, g, preferred_element_type=jnp.float32))
    ad16 = (jnp.dot(tdh, g, preferred_element_type=jnp.float32)
            + jnp.dot(tdl, g, preferred_element_type=jnp.float32))
    as_ref[...] = as16
    ad_ref[...] = ad16

    @pl.when(i == 0)
    def _():
        mx_ref[...] = jnp.full_like(mx_ref[...], -1e30)

    rowid = lax.broadcasted_iota(jnp.int32, (XBLK, 128), 0)
    valid = rowid < (N // 8 - i * XBLK)
    ms = jnp.max(jnp.where(valid, as16, -1e30), axis=0, keepdims=True)
    md = jnp.max(jnp.where(valid, ad16, -1e30), axis=0, keepdims=True)
    mx_ref[0:1, :] = jnp.maximum(mx_ref[0:1, :], ms)
    mx_ref[1:2, :] = jnp.maximum(mx_ref[1:2, :], md)

    @pl.when(i == NBLK - 1)
    def _():
        m_ref[...] = mx_ref[0:2, :]


def _proj(xr, wh, wl, atts, attd, g128):
    return pl.pallas_call(
        _proj_body,
        grid=(NBLK,),
        in_specs=[
            pl.BlockSpec((XBLK, 8 * DIN), lambda i: (i, 0)),
            pl.BlockSpec((8 * DIN, 128), lambda i: (0, 0)),
            pl.BlockSpec((8 * DIN, 128), lambda i: (0, 0)),
            pl.BlockSpec((1, 128), lambda i: (0, 0)),
            pl.BlockSpec((1, 128), lambda i: (0, 0)),
            pl.BlockSpec((128, 128), lambda i: (0, 0)),
        ],
        out_specs=[
            pl.BlockSpec((XBLK, 128), lambda i: (i, 0)),
            pl.BlockSpec((XBLK, 128), lambda i: (i, 0)),
            pl.BlockSpec((XBLK, 128), lambda i: (i, 0)),
            pl.BlockSpec((2, 128), lambda i: (0, 0)),
        ],
        out_shape=[
            jax.ShapeDtypeStruct((NPACK, 128), jnp.float32),
            jax.ShapeDtypeStruct((NPACK, 128), jnp.float32),
            jax.ShapeDtypeStruct((NPACK, 128), jnp.float32),
            jax.ShapeDtypeStruct((2, 128), jnp.float32),
        ],
        scratch_shapes=[pltpu.VMEM((8, 128), jnp.float32)],
    )(xr, wh, wl, atts, attd, g128)


def _sc_conv_body(src_hbm, dst_hbm, as_hbm, ad_hbm, h_hbm, m_hbm, out_hbm,
                  ib0, ib1, as0, as1, ad0, ad1, hv0, hv1, ds0, ds1,
                  mv, st_a, st_b, acc_sh, s_sh,
                  isem0, isem1, gsem0, gsem1, ssem0, ssem1):
    c = lax.axis_index("c")
    s = lax.axis_index("s")

    ib = (ib0, ib1)
    asv = (as0, as1)
    adv = (ad0, ad1)
    hv = (hv0, hv1)
    dsv = (ds0, ds1)
    isem = (isem0, isem1)
    gsem = (gsem0, gsem1)
    ssem = (ssem0, ssem1)

    pltpu.sync_copy(m_hbm, mv)
    ms16 = mv[0, pl.ds(0, 16)]
    md16 = mv[1, pl.ds(0, 16)]
    for k in range(1, 8):
        ms16 = jnp.maximum(ms16, mv[0, pl.ds(k * 16, 16)])
        md16 = jnp.maximum(md16, mv[1, pl.ds(k * 16, 16)])
    t16 = ms16 + md16
    m = jnp.maximum(t16, NEG * t16)

    @plsc.parallel_loop(0, OROWS, unroll=8)
    def _(i):
        st_a[i] = jnp.zeros((16,), jnp.float32)
    nbase = s * TSTRIPE

    def zcp(kk, _):
        pltpu.sync_copy(st_a, acc_sh.at[pl.ds(nbase + kk * OROWS, OROWS)])
        pltpu.sync_copy(st_a, s_sh.at[pl.ds(nbase + kk * OROWS, OROWS)])
        return 0
    lax.fori_loop(0, OCHUNKS, zcp, 0)
    plsc.subcore_barrier()

    def g_of(i):
        return c * EPAD + (i * 16 + s) * CHUNK

    def fire_idx(i, b):
        pltpu.async_copy(src_hbm.at[pl.ds(g_of(i), CHUNK)], ib[b].at[0], isem[b])
        pltpu.async_copy(dst_hbm.at[pl.ds(g_of(i), CHUNK)], ib[b].at[1], isem[b])

    def wait_idx(i, b):
        pltpu.make_async_copy(src_hbm.at[pl.ds(g_of(i), CHUNK)],
                              ib[b].at[0], isem[b]).wait()
        pltpu.make_async_copy(dst_hbm.at[pl.ds(g_of(i), CHUNK)],
                              ib[b].at[1], isem[b]).wait()

    def fire_gathers(b):
        pass

    def wait_gathers(b):
        pass

    def fire_scatters(b):
        pltpu.async_copy(asv[b], s_sh.at[dsv[b]], ssem[b], add=True)
        pltpu.async_copy(hv[b], acc_sh.at[dsv[b]], ssem[b], add=True)

    def wait_scatters(b):
        pltpu.make_async_copy(asv[b], s_sh.at[dsv[b]], ssem[b]).wait()
        pltpu.make_async_copy(hv[b], acc_sh.at[dsv[b]], ssem[b]).wait()

    pltpu.sync_copy(src_hbm.at[pl.ds(g_of(0), CHUNK)], ib0.at[0])
    pltpu.sync_copy(dst_hbm.at[pl.ds(g_of(0), CHUNK)], ib0.at[1])
    fire_gathers(0)
    fire_idx(1, 1)

    def pair_body(jp, _):
        for b in (0, 1):
            i = jp * 2 + b
            nb = 1 - b

            @pl.when(i >= 1)
            def _():
                wait_scatters(nb)

            @pl.when(i + 1 < CPT)
            def _():
                wait_idx(i + 1, nb)
                fire_gathers(nb)

            wait_gathers(b)
            for r8 in range(CHUNK // 16):
                dsv[b][pl.ds(r8 * 16, 16)] = ib[b][1, pl.ds(r8 * 16, 16)]

            @pl.when(i + 2 < CPT)
            def _():
                fire_idx(i + 2, b)

            asv_b = asv[b]
            adv_b = adv[b]
            hv_b = hv[b]

            @plsc.parallel_loop(0, CHUNK, unroll=8)
            def _(bb):
                al = asv_b[bb] + adv_b[bb]
                al = jnp.maximum(al, al * NEG)
                e = jnp.exp(al - m)
                asv_b[bb] = e
                hv_b[bb] = e * hv_b[bb]

            fire_scatters(b)
        return 0
    lax.fori_loop(0, CPT // 2, pair_body, 0)
    wait_scatters(1)
    plsc.subcore_barrier()

    def outk(kk, _):
        rb = nbase + kk * OROWS
        pltpu.sync_copy(acc_sh.at[pl.ds(rb, OROWS)], st_a)
        pltpu.sync_copy(s_sh.at[pl.ds(rb, OROWS)], st_b)

        @plsc.parallel_loop(0, OROWS, unroll=8)
        def _(i):
            v = st_a[i] / (st_b[i] + 1e-16)
            st_a[i] = jnp.maximum(v, 0.0)
        pltpu.sync_copy(st_a, out_hbm.at[pl.ds(c * OUT_STRIDE + rb, OROWS)])
        return 0
    lax.fori_loop(0, OCHUNKS, outk, 0)


_sc_conv = functools.partial(
    pl.kernel,
    out_type=jax.ShapeDtypeStruct((2 * OUT_STRIDE, HID), jnp.float32),
    mesh=plsc.VectorSubcoreMesh(core_axis_name="c", subcore_axis_name="s"),
    compiler_params=pltpu.CompilerParams(use_tc_tiling_on_sc=False),
    scratch_types=[
        pltpu.VMEM((2, CHUNK), jnp.int32),
        pltpu.VMEM((2, CHUNK), jnp.int32),
        pltpu.VMEM((CHUNK, HID), jnp.float32),
        pltpu.VMEM((CHUNK, HID), jnp.float32),
        pltpu.VMEM((CHUNK, HID), jnp.float32),
        pltpu.VMEM((CHUNK, HID), jnp.float32),
        pltpu.VMEM((CHUNK, HID), jnp.float32),
        pltpu.VMEM((CHUNK, HID), jnp.float32),
        pltpu.VMEM((CHUNK,), jnp.int32),
        pltpu.VMEM((CHUNK,), jnp.int32),
        pltpu.VMEM((2, 128), jnp.float32),
        pltpu.VMEM((OROWS, HID), jnp.float32),
        pltpu.VMEM((OROWS, HID), jnp.float32),
        pltpu.VMEM_SHARED((NPAD, HID), jnp.float32),
        pltpu.VMEM_SHARED((NPAD, HID), jnp.float32),
        pltpu.SemaphoreType.DMA,
        pltpu.SemaphoreType.DMA,
        pltpu.SemaphoreType.DMA,
        pltpu.SemaphoreType.DMA,
        pltpu.SemaphoreType.DMA,
        pltpu.SemaphoreType.DMA,
    ],
)(_sc_conv_body)


def _sem_body(o_ref, wsh_ref, bsem_ref, qsem_ref,
              woh_ref, wol_ref, bout_ref, out_ref):
    ngood = N // 8
    o0 = o_ref[0:ngood, :]
    o1 = o_ref[OPACK:OPACK + ngood, :]
    o2 = jnp.concatenate([o0, o1], axis=0)
    t = jnp.tanh(jnp.dot(o2.astype(jnp.bfloat16), wsh_ref[...],
                         preferred_element_type=jnp.float32)
                 + bsem_ref[...])
    sc = t * qsem_ref[...]
    w0 = jnp.sum(sc[0:ngood, :]) / N
    w1 = jnp.sum(sc[ngood:, :]) / N
    mm = jnp.maximum(w0, w1)
    e0 = jnp.exp(w0 - mm)
    e1 = jnp.exp(w1 - mm)
    b0 = e0 / (e0 + e1)
    b1 = e1 / (e0 + e1)
    z = o0 * b0 + o1 * b1
    zh, zl = _split3(z)
    out_ref[...] = (_dot3(zh, zl, woh_ref[...], wol_ref[...])
                    + bout_ref[...])


def _sem(o, wsh, bsem, qsem, woh, wol, bout):
    return pl.pallas_call(
        _sem_body,
        out_shape=jax.ShapeDtypeStruct((N // 8, HID), jnp.float32),
    )(o, wsh, bsem, qsem, woh, wol, bout)


def _block_diag(w, copies):
    rows, cols = w.shape
    out = jnp.zeros((copies * rows, copies * cols), w.dtype)
    for k in range(copies):
        out = lax.dynamic_update_slice(out, w, (k * rows, k * cols))
    return out


def kernel(x_item, edge_index_r0, edge_index_r1, W_lin, att_src, att_dst,
           W_sem, b_sem, q_sem, W_out, b_out):
    atts = jnp.tile(att_src.reshape(1, HID), (1, 8))
    attd = jnp.tile(att_dst.reshape(1, HID), (1, 8))
    g128 = jnp.asarray(_G128)

    xr = x_item.reshape(N // 8, 8 * DIN)
    wr = _block_diag(W_lin, 8)
    wh = wr.astype(jnp.bfloat16)
    wl = (wr - wh.astype(jnp.float32)).astype(jnp.bfloat16)

    hP, asP, adP, M2 = _proj(xr, wh, wl, atts, attd, g128)
    h = hP.reshape(NPAD, HID)
    AS = asP.reshape(NPAD, HID)
    AD = adP.reshape(NPAD, HID)

    padi = jnp.full((EPAD - E,), N, jnp.int32)
    srcs = jnp.concatenate([edge_index_r0[0], padi, edge_index_r1[0], padi])
    dsts = jnp.concatenate([edge_index_r0[1], padi, edge_index_r1[1], padi])

    conv = _sc_conv(srcs, dsts, AS, AD, h, M2)
    convP = conv.reshape(2 * OPACK, 128)

    wsem8 = _block_diag(W_sem, 8)
    wsh = wsem8.astype(jnp.bfloat16)
    wout8 = _block_diag(W_out, 8)
    woh = wout8.astype(jnp.bfloat16)
    wol = (wout8 - woh.astype(jnp.float32)).astype(jnp.bfloat16)
    b8 = jnp.tile(b_sem.reshape(1, HID), (1, 8))
    q8 = jnp.tile(q_sem.reshape(1, HID), (1, 8))
    bo8 = jnp.tile(b_out.reshape(1, DOUT), (1, 8))

    outP = _sem(convP, wsh, b8, q8, woh, wol, bo8)
    return outP.reshape(N, DOUT)

# --- scband reference (transcript-rebuilt; emitter-appended) ---
"""Pipeline reference for scband-hansa-84258668413366 (READ-ONLY COPY).

The authoritative reference and input builder live on the scoring server;
editing this copy changes nothing except your own understanding.
"""

import jax, jax.numpy as jnp
import numpy as np

N = 50000
DIN = 128
HID = 16
H = 4
DH = HID // H
DOUT = 2
E = 400000
NEG_SLOPE = 0.2


def setup_inputs(seed: int = 0) -> dict:
    key = jax.random.key(seed)
    ks = jax.random.split(key, 12)
    x_item = jax.random.normal(ks[0], (N, DIN), dtype=jnp.float32)
    edge_index_r0 = jax.random.randint(ks[1], (2, E), 0, N, dtype=jnp.int32)
    edge_index_r1 = jax.random.randint(ks[2], (2, E), 0, N, dtype=jnp.int32)
    # HANConv parameters (1 node type, 2 edge types)
    W_lin = jax.random.normal(ks[3], (DIN, HID), dtype=jnp.float32) * (1.0 / np.sqrt(DIN))
    att_src = jax.random.normal(ks[4], (H, DH), dtype=jnp.float32) * 0.1
    att_dst = jax.random.normal(ks[5], (H, DH), dtype=jnp.float32) * 0.1
    W_sem = jax.random.normal(ks[6], (HID, HID), dtype=jnp.float32) * (1.0 / np.sqrt(HID))
    b_sem = jnp.zeros((HID,), dtype=jnp.float32)
    q_sem = jax.random.normal(ks[7], (HID,), dtype=jnp.float32) * 0.1
    W_out = jax.random.normal(ks[8], (HID, DOUT), dtype=jnp.float32) * (1.0 / np.sqrt(HID))
    b_out = jnp.zeros((DOUT,), dtype=jnp.float32)
    return {
        'x_item': x_item,
        'edge_index_r0': edge_index_r0,
        'edge_index_r1': edge_index_r1,
        'W_lin': W_lin,
        'att_src': att_src,
        'att_dst': att_dst,
        'W_sem': W_sem,
        'b_sem': b_sem,
        'q_sem': q_sem,
        'W_out': W_out,
        'b_out': b_out,
    }


def _segment_softmax(alpha, dst, n):
    m = jax.ops.segment_max(alpha, dst, num_segments=n)
    m = jnp.where(jnp.isfinite(m), m, 0.0)
    e = jnp.exp(alpha - m[dst])
    s = jax.ops.segment_sum(e, dst, num_segments=n)
    return e / (s[dst] + 1e-16)


def _edge_type_conv(h, a_src, a_dst, edge_index):
    src = edge_index[0]
    dst = edge_index[1]
    alpha = a_src[src] + a_dst[dst]              # [E, H]
    alpha = jax.nn.leaky_relu(alpha, NEG_SLOPE)
    alpha = _segment_softmax(alpha, dst, N)      # [E, H]
    msg = h[src] * alpha[:, :, None]             # [E, H, DH]
    out = jax.ops.segment_sum(msg, dst, num_segments=N)  # [N, H, DH]
    out = out.reshape(N, HID)
    return jax.nn.relu(out)


def reference(x_item, edge_index_r0, edge_index_r1, W_lin, att_src, att_dst,
              W_sem, b_sem, q_sem, W_out, b_out):
    # HANConv layer (PyG semantics), eval mode (no dropout)
    h = (x_item @ W_lin).reshape(N, H, DH)
    a_src = (h * att_src[None]).sum(-1)   # [N, H]
    a_dst = (h * att_dst[None]).sum(-1)   # [N, H]
    out_r0 = _edge_type_conv(h, a_src, a_dst, edge_index_r0)
    out_r1 = _edge_type_conv(h, a_src, a_dst, edge_index_r1)
    stacked = jnp.stack([out_r0, out_r1], axis=0)  # [R, N, HID]
    # semantic attention across edge types
    score = jnp.tanh(stacked @ W_sem + b_sem) @ q_sem   # [R, N]
    w = score.mean(axis=1)                               # [R]
    beta = jax.nn.softmax(w)
    z = (beta[:, None, None] * stacked).sum(axis=0)      # [N, HID]
    # final linear head on labeled_class ('item')
    out = z @ W_out + b_out                              # [N, DOUT]
    return out

if __name__ == "__main__":
    import jax
    _d = setup_inputs()
    print(jax.jit(kernel)(*tuple(_d.values())))

</pallas_src>

<mosaic_0001>
#map = affine_map<(d0, d1) -> (0)>
#map1 = affine_map<(d0, d1) -> (0, 0)>
module attributes {stable_mosaic.version = 14 : i64} {
  func.func @_sc_conv_body(%arg0: i32, %arg1: i32, %arg2: memref<802816xi32, #tpu.memory_space<hbm>>, %arg3: memref<802816xi32, #tpu.memory_space<hbm>>, %arg4: memref<50048x16xf32, #tpu.memory_space<hbm>>, %arg5: memref<50048x16xf32, #tpu.memory_space<hbm>>, %arg6: memref<50048x16xf32, #tpu.memory_space<hbm>>, %arg7: memref<2x128xf32, #tpu.memory_space<hbm>>, %arg8: memref<104000x16xf32, #tpu.memory_space<hbm>>, %arg9: memref<2x256xi32, #tpu.memory_space<vmem>>, %arg10: memref<2x256xi32, #tpu.memory_space<vmem>>, %arg11: memref<256x16xf32, #tpu.memory_space<vmem>>, %arg12: memref<256x16xf32, #tpu.memory_space<vmem>>, %arg13: memref<256x16xf32, #tpu.memory_space<vmem>>, %arg14: memref<256x16xf32, #tpu.memory_space<vmem>>, %arg15: memref<256x16xf32, #tpu.memory_space<vmem>>, %arg16: memref<256x16xf32, #tpu.memory_space<vmem>>, %arg17: memref<256xi32, #tpu.memory_space<vmem>>, %arg18: memref<256xi32, #tpu.memory_space<vmem>>, %arg19: memref<2x128xf32, #tpu.memory_space<vmem>>, %arg20: memref<136x16xf32, #tpu.memory_space<vmem>>, %arg21: memref<136x16xf32, #tpu.memory_space<vmem>>, %arg22: memref<50048x16xf32, #tpu.memory_space<vmem_shared>>, %arg23: memref<50048x16xf32, #tpu.memory_space<vmem_shared>>, %arg24: memref<!tpu.dma_semaphore, #tpu.memory_space<semaphore_mem>>, %arg25: memref<!tpu.dma_semaphore, #tpu.memory_space<semaphore_mem>>, %arg26: memref<!tpu.dma_semaphore, #tpu.memory_space<semaphore_mem>>, %arg27: memref<!tpu.dma_semaphore, #tpu.memory_space<semaphore_mem>>, %arg28: memref<!tpu.dma_semaphore, #tpu.memory_space<semaphore_mem>>, %arg29: memref<!tpu.dma_semaphore, #tpu.memory_space<semaphore_mem>>) attributes {dimension_semantics = [#tpu.dimension_semantics<core_parallel>, #tpu.dimension_semantics<subcore_parallel>], iteration_bounds = array<i64: 2, 16>, scalar_prefetch = 0 : i64, scratch_operands = 21 : i64, tpu.core_type = #tpu.core_type<sc_vector_subcore>, window_params = [{transform_indices = #map}, {transform_indices = #map}, {transform_indices = #map1}, {transform_indices = #map1}, {transform_indices = #map1}, {transform_indices = #map1}, {transform_indices = #map1}]} {
    "tpu.region"() ({
      %run_scoped3A_171 = tpu.sem_alloc : memref<!tpu.dma_semaphore, #tpu.memory_space<semaphore_mem>>
      tpu.enqueue_dma source(%arg7 : memref<2x128xf32, #tpu.memory_space<hbm>>) target(%arg19 : memref<2x128xf32, #tpu.memory_space<vmem>>) target_semaphore(%run_scoped3A_171 : memref<!tpu.dma_semaphore, #tpu.memory_space<semaphore_mem>>)
      tpu.wait_dma2 semaphore(%run_scoped3A_171 : memref<!tpu.dma_semaphore, #tpu.memory_space<semaphore_mem>>) src(%arg7 : memref<2x128xf32, #tpu.memory_space<hbm>>) dst(%arg19 : memref<2x128xf32, #tpu.memory_space<vmem>>)
      tpu.yield
    }) : () -> ()
    %get3A = arith.constant 0 : i32
    %get3A_0 = arith.index_cast %get3A : i32 to index
    %get3A_1 = arith.constant 0 : index
    %get3A_2 = tpu.vector_load %arg19[%get3A_0, %get3A_1] {strides = array<i32>} : memref<2x128xf32, #tpu.memory_space<vmem>>, vector<1x16xf32>,
    %get3A_3 = vector.shape_cast %get3A_2 : vector<1x16xf32> to vector<16xf32>
    %get3A_4 = arith.constant 1 : i32
    %get3A_5 = arith.index_cast %get3A_4 : i32 to index
    %get3A_6 = arith.constant 0 : index
    %get3A_7 = tpu.vector_load %arg19[%get3A_5, %get3A_6] {strides = array<i32>} : memref<2x128xf32, #tpu.memory_space<vmem>>, vector<1x16xf32>,
    %get3A_8 = vector.shape_cast %get3A_7 : vector<1x16xf32> to vector<16xf32>
    %get3A_9 = arith.constant 0 : i32
    %get3A_10 = arith.index_cast %get3A_9 : i32 to index
    %get3A_11 = arith.constant 16 : index
    %get3A_12 = tpu.vector_load %arg19[%get3A_10, %get3A_11] {strides = array<i32>} : memref<2x128xf32, #tpu.memory_space<vmem>>, vector<1x16xf32>,
    %get3A_13 = vector.shape_cast %get3A_12 : vector<1x16xf32> to vector<16xf32>
    %max3A = arith.maximumf %get3A_3, %get3A_13 : vector<16xf32>
    %get3A_14 = arith.constant 1 : i32
    %get3A_15 = arith.index_cast %get3A_14 : i32 to index
    %get3A_16 = arith.constant 16 : index
    %get3A_17 = tpu.vector_load %arg19[%get3A_15, %get3A_16] {strides = array<i32>} : memref<2x128xf32, #tpu.memory_space<vmem>>, vector<1x16xf32>,
    %get3A_18 = vector.shape_cast %get3A_17 : vector<1x16xf32> to vector<16xf32>
    %max3A_19 = arith.maximumf %get3A_8, %get3A_18 : vector<16xf32>
    %get3A_20 = arith.constant 0 : i32
    %get3A_21 = arith.index_cast %get3A_20 : i32 to index
    %get3A_22 = arith.constant 32 : index
    %get3A_23 = tpu.vector_load %arg19[%get3A_21, %get3A_22] {strides = array<i32>} : memref<2x128xf32, #tpu.memory_space<vmem>>, vector<1x16xf32>,
    %get3A_24 = vector.shape_cast %get3A_23 : vector<1x16xf32> to vector<16xf32>
    %max3A_25 = arith.maximumf %max3A, %get3A_24 : vector<16xf32>
    %get3A_26 = arith.constant 1 : i32
    %get3A_27 = arith.index_cast %get3A_26 : i32 to index
    %get3A_28 = arith.constant 32 : index
    %get3A_29 = tpu.vector_load %arg19[%get3A_27, %get3A_28] {strides = array<i32>} : memref<2x128xf32, #tpu.memory_space<vmem>>, vector<1x16xf32>,
    %get3A_30 = vector.shape_cast %get3A_29 : vector<1x16xf32> to vector<16xf32>
    %max3A_31 = arith.maximumf %max3A_19, %get3A_30 : vector<16xf32>
    %get3A_32 = arith.constant 0 : i32
    %get3A_33 = arith.index_cast %get3A_32 : i32 to index
    %get3A_34 = arith.constant 48 : index
    %get3A_35 = tpu.vector_load %arg19[%get3A_33, %get3A_34] {strides = array<i32>} : memref<2x128xf32, #tpu.memory_space<vmem>>, vector<1x16xf32>,
    %get3A_36 = vector.shape_cast %get3A_35 : vector<1x16xf32> to vector<16xf32>
    %max3A_37 = arith.maximumf %max3A_25, %get3A_36 : vector<16xf32>
    %get3A_38 = arith.constant 1 : i32
    %get3A_39 = arith.index_cast %get3A_38 : i32 to index
    %get3A_40 = arith.constant 48 : index
    %get3A_41 = tpu.vector_load %arg19[%get3A_39, %get3A_40] {strides = array<i32>} : memref<2x128xf32, #tpu.memory_space<vmem>>, vector<1x16xf32>,
    %get3A_42 = vector.shape_cast %get3A_41 : vector<1x16xf32> to vector<16xf32>
    %max3A_43 = arith.maximumf %max3A_31, %get3A_42 : vector<16xf32>
    %get3A_44 = arith.constant 0 : i32
    %get3A_45 = arith.index_cast %get3A_44 : i32 to index
    %get3A_46 = arith.constant 64 : index
    %get3A_47 = tpu.vector_load %arg19[%get3A_45, %get3A_46] {strides = array<i32>} : memref<2x128xf32, #tpu.memory_space<vmem>>, vector<1x16xf32>,
    %get3A_48 = vector.shape_cast %get3A_47 : vector<1x16xf32> to vector<16xf32>
    %max3A_49 = arith.maximumf %max3A_37, %get3A_48 : vector<16xf32>
    %get3A_50 = arith.constant 1 : i32
    %get3A_51 = arith.index_cast %get3A_50 : i32 to index
    %get3A_52 = arith.constant 64 : index
    %get3A_53 = tpu.vector_load %arg19[%get3A_51, %get3A_52] {strides = array<i32>} : memref<2x128xf32, #tpu.memory_space<vmem>>, vector<1x16xf32>,
    %get3A_54 = vector.shape_cast %get3A_53 : vector<1x16xf32> to vector<16xf32>
    %max3A_55 = arith.maximumf %max3A_43, %get3A_54 : vector<16xf32>
    %get3A_56 = arith.constant 0 : i32
    %get3A_57 = arith.index_cast %get3A_56 : i32 to index
    %get3A_58 = arith.constant 80 : index
    %get3A_59 = tpu.vector_load %arg19[%get3A_57, %get3A_58] {strides = array<i32>} : memref<2x128xf32, #tpu.memory_space<vmem>>, vector<1x16xf32>,
    %get3A_60 = vector.shape_cast %get3A_59 : vector<1x16xf32> to vector<16xf32>
    %max3A_61 = arith.maximumf %max3A_49, %get3A_60 : vector<16xf32>
    %get3A_62 = arith.constant 1 : i32
    %get3A_63 = arith.index_cast %get3A_62 : i32 to index
    %get3A_64 = arith.constant 80 : index
    %get3A_65 = tpu.vector_load %arg19[%get3A_63, %get3A_64] {strides = array<i32>} : memref<2x128xf32, #tpu.memory_space<vmem>>, vector<1x16xf32>,
    %get3A_66 = vector.shape_cast %get3A_65 : vector<1x16xf32> to vector<16xf32>
    %max3A_67 = arith.maximumf %max3A_55, %get3A_66 : vector<16xf32>
    %get3A_68 = arith.constant 0 : i32
    %get3A_69 = arith.index_cast %get3A_68 : i32 to index
    %get3A_70 = arith.constant 96 : index
    %get3A_71 = tpu.vector_load %arg19[%get3A_69, %get3A_70] {strides = array<i32>} : memref<2x128xf32, #tpu.memory_space<vmem>>, vector<1x16xf32>,
    %get3A_72 = vector.shape_cast %get3A_71 : vector<1x16xf32> to vector<16xf32>
    %max3A_73 = arith.maximumf %max3A_61, %get3A_72 : vector<16xf32>
    %get3A_74 = arith.constant 1 : i32
    %get3A_75 = arith.index_cast %get3A_74 : i32 to index
    %get3A_76 = arith.constant 96 : index
    %get3A_77 = tpu.vector_load %arg19[%get3A_75, %get3A_76] {strides = array<i32>} : memref<2x128xf32, #tpu.memory_space<vmem>>, vector<1x16xf32>,
    %get3A_78 = vector.shape_cast %get3A_77 : vector<1x16xf32> to vector<16xf32>
    %max3A_79 = arith.maximumf %max3A_67, %get3A_78 : vector<16xf32>
    %get3A_80 = arith.constant 0 : i32
    %get3A_81 = arith.index_cast %get3A_80 : i32 to index
    %get3A_82 = arith.constant 112 : index
    %get3A_83 = tpu.vector_load %arg19[%get3A_81, %get3A_82] {strides = array<i32>} : memref<2x128xf32, #tpu.memory_space<vmem>>, vector<1x16xf32>,
    %get3A_84 = vector.shape_cast %get3A_83 : vector<1x16xf32> to vector<16xf32>
    %max3A_85 = arith.maximumf %max3A_73, %get3A_84 : vector<16xf32>
    %get3A_86 = arith.constant 1 : i32
    %get3A_87 = arith.index_cast %get3A_86 : i32 to index
    %get3A_88 = arith.constant 112 : index
    %get3A_89 = tpu.vector_load %arg19[%get3A_87, %get3A_88] {strides = array<i32>} : memref<2x128xf32, #tpu.memory_space<vmem>>, vector<1x16xf32>,
    %get3A_90 = vector.shape_cast %get3A_89 : vector<1x16xf32> to vector<16xf32>
    %max3A_91 = arith.maximumf %max3A_79, %get3A_90 : vector<16xf32>
    %add3A = arith.addf %max3A_85, %max3A_91 : vector<16xf32>
    %mul3A = arith.constant 2.000000e-01 : f32
    %mul3A_92 = vector.broadcast %mul3A : f32 to vector<16xf32>
    %mul3A_93 = arith.mulf %mul3A_92, %add3A : vector<16xf32>
    %max3A_94 = arith.maximumf %add3A, %mul3A_93 : vector<16xf32>
    %parallel_loop3A = arith.constant 0 : i32
    %parallel_loop3A_95 = arith.constant 136 : i32
    %parallel_loop3A_96 = arith.constant 1 : i32
    scf.for %parallel_loop3A_171 = %parallel_loop3A to %parallel_loop3A_95 step %parallel_loop3A_96  : i32 {
      %parallel_loop3A_172 = arith.constant 0.000000e+00 : f32
      %parallel_loop3A_173 = vector.broadcast %parallel_loop3A_172 : f32 to vector<16xf32>
      %parallel_loop3A_174 = arith.index_cast %parallel_loop3A_171 : i32 to index
      %parallel_loop3A_175 = arith.constant 0 : index
      %parallel_loop3A_176 = tpu.vector_load %arg20[%parallel_loop3A_174, %parallel_loop3A_175] {strides = array<i32>} : memref<136x16xf32, #tpu.memory_space<vmem>>, vector<1x16xf32>,
      %parallel_loop3A_177 = vector.shape_cast %parallel_loop3A_176 : vector<1x16xf32> to vector<16xf32>
      %parallel_loop3A_178 = vector.shape_cast %parallel_loop3A_173 : vector<16xf32> to vector<1x16xf32>
      tpu.vector_store %arg20[%parallel_loop3A_174, %parallel_loop3A_175], %parallel_loop3A_178 {strides = array<i32>} : memref<136x16xf32, #tpu.memory_space<vmem>>, vector<1x16xf32>,
    } {sc.loop_unroll_factor = 8 : i64, sc.parallel_access}
    %mul3A_97 = arith.constant 3128 : i32
    %mul3A_98 = arith.muli %arg1, %mul3A_97 : i32
    %scan3A = arith.constant 0 : i32
    %scan3A_99 = arith.constant 0 : i32
    %scan3A_100 = arith.constant 23 : i32
    %scan3A_101 = arith.addi %scan3A_99, %scan3A_100 : i32
    %scan3A_102 = arith.constant 1 : i32
    %scan3A_103 = scf.for %scan3A_171 = %scan3A_99 to %scan3A_101 step %scan3A_102 iter_args(%scan3A_172 = %scan3A) -> (i32)  : i32 {
      %mul3A_173 = arith.constant 136 : i32
      %mul3A_174 = arith.muli %scan3A_171, %mul3A_173 : i32
      %add3A_175 = arith.addi %mul3A_98, %mul3A_174 : i32
      "tpu.region"() ({
        %run_scoped3A_180 = tpu.sem_alloc : memref<!tpu.dma_semaphore, #tpu.memory_space<semaphore_mem>>
        %dma_start3A_181 = arith.constant 0 : i32
        %dma_start3A_182 = tpu.memref_slice %arg22[%add3A_175, %dma_start3A_181] : memref<50048x16xf32, #tpu.memory_space<vmem_shared>> -> memref<136x16xf32, #tpu.memory_space<vmem_shared>>
        %dma_start3A_183 = arith.constant 0 : i32
        %dma_start3A_184 = tpu.memref_slice %arg22[%add3A_175, %dma_start3A_183] : memref<50048x16xf32, #tpu.memory_space<vmem_shared>> -> memref<136x16xf32, #tpu.memory_space<vmem_shared>>
        tpu.enqueue_dma source(%arg20 : memref<136x16xf32, #tpu.memory_space<vmem>>) target(%dma_start3A_184 : memref<136x16xf32, #tpu.memory_space<vmem_shared>>) target_semaphore(%run_scoped3A_180 : memref<!tpu.dma_semaphore, #tpu.memory_space<semaphore_mem>>)
        %dma_wait3A_185 = arith.constant 0 : i32
        %dma_wait3A_186 = tpu.memref_slice %arg22[%add3A_175, %dma_wait3A_185] : memref<50048x16xf32, #tpu.memory_space<vmem_shared>> -> memref<136x16xf32, #tpu.memory_space<vmem_shared>>
        %dma_wait3A_187 = arith.constant 0 : i32
        %dma_wait3A_188 = tpu.memref_slice %arg22[%add3A_175, %dma_wait3A_187] : memref<50048x16xf32, #tpu.memory_space<vmem_shared>> -> memref<136x16xf32, #tpu.memory_space<vmem_shared>>
        tpu.wait_dma2 semaphore(%run_scoped3A_180 : memref<!tpu.dma_semaphore, #tpu.memory_space<semaphore_mem>>) src(%arg20 : memref<136x16xf32, #tpu.memory_space<vmem>>) dst(%dma_wait3A_188 : memref<136x16xf32, #tpu.memory_space<vmem_shared>>)
        tpu.yield
      }) : () -> ()
      %mul3A_176 = arith.constant 136 : i32
      %mul3A_177 = arith.muli %scan3A_171, %mul3A_176 : i32
      %add3A_178 = arith.addi %mul3A_98, %mul3A_177 : i32
      "tpu.region"() ({
        %run_scoped3A_180 = tpu.sem_alloc : memref<!tpu.dma_semaphore, #tpu.memory_space<semaphore_mem>>
        %dma_start3A_181 = arith.constant 0 : i32
        %dma_start3A_182 = tpu.memref_slice %arg23[%add3A_178, %dma_start3A_181] : memref<50048x16xf32, #tpu.memory_space<vmem_shared>> -> memref<136x16xf32, #tpu.memory_space<vmem_shared>>
        %dma_start3A_183 = arith.constant 0 : i32
        %dma_start3A_184 = tpu.memref_slice %arg23[%add3A_178, %dma_start3A_183] : memref<50048x16xf32, #tpu.memory_space<vmem_shared>> -> memref<136x16xf32, #tpu.memory_space<vmem_shared>>
        tpu.enqueue_dma source(%arg20 : memref<136x16xf32, #tpu.memory_space<vmem>>) target(%dma_start3A_184 : memref<136x16xf32, #tpu.memory_space<vmem_shared>>) target_semaphore(%run_scoped3A_180 : memref<!tpu.dma_semaphore, #tpu.memory_space<semaphore_mem>>)
        %dma_wait3A_185 = arith.constant 0 : i32
        %dma_wait3A_186 = tpu.memref_slice %arg23[%add3A_178, %dma_wait3A_185] : memref<50048x16xf32, #tpu.memory_space<vmem_shared>> -> memref<136x16xf32, #tpu.memory_space<vmem_shared>>
        %dma_wait3A_187 = arith.constant 0 : i32
        %dma_wait3A_188 = tpu.memref_slice %arg23[%add3A_178, %dma_wait3A_187] : memref<50048x16xf32, #tpu.memory_space<vmem_shared>> -> memref<136x16xf32, #tpu.memory_space<vmem_shared>>
        tpu.wait_dma2 semaphore(%run_scoped3A_180 : memref<!tpu.dma_semaphore, #tpu.memory_space<semaphore_mem>>) src(%arg20 : memref<136x16xf32, #tpu.memory_space<vmem>>) dst(%dma_wait3A_188 : memref<136x16xf32, #tpu.memory_space<vmem_shared>>)
        tpu.yield
      }) : () -> ()
      %scan3A_179 = arith.constant 0 : i32
      scf.yield %scan3A_179 : i32
    }
    %scan3A_104 = arith.constant 23 : i32
    %barrier3A = arith.constant 0 : index
    tpu.barrier barrier_id(%barrier3A)
    %mul3A_105 = arith.constant 401408 : i32
    %mul3A_106 = arith.muli %arg0, %mul3A_105 : i32
    %add3A_107 = arith.constant 0 : i32
    %add3A_108 = arith.addi %add3A_107, %arg1 : i32
    %mul3A_109 = arith.constant 256 : i32
    %mul3A_110 = arith.muli %add3A_108, %mul3A_109 : i32
    %add3A_111 = arith.addi %mul3A_106, %mul3A_110 : i32
    %run_scoped3A = arith.constant 0 : i32
    "tpu.region"() ({
      %run_scoped3A_171 = tpu.sem_alloc : memref<!tpu.dma_semaphore, #tpu.memory_space<semaphore_mem>>
      %dma_start3A_172 = arith.constant 0 : i32
      %dma_start3A_173 = tpu.memref_slice %arg9[%run_scoped3A, %dma_start3A_172] : memref<2x256xi32, #tpu.memory_space<vmem>> -> memref<1x256xi32, #tpu.memory_space<vmem>>
      %dma_start3A_174 = tpu.memref_squeeze %dma_start3A_173 : memref<1x256xi32, #tpu.memory_space<vmem>> -> memref<256xi32, #tpu.memory_space<vmem>>
      %dma_start3A_175 = tpu.memref_slice %arg2[%add3A_111] : memref<802816xi32, #tpu.memory_space<hbm>> -> memref<256xi32, #tpu.memory_space<hbm>>
      %dma_start3A_176 = arith.constant 0 : i32
      %dma_start3A_177 = tpu.memref_slice %arg9[%run_scoped3A, %dma_start3A_176] : memref<2x256xi32, #tpu.memory_space<vmem>> -> memref<1x256xi32, #tpu.memory_space<vmem>>
      %dma_start3A_178 = tpu.memref_squeeze %dma_start3A_177 : memref<1x256xi32, #tpu.memory_space<vmem>> -> memref<256xi32, #tpu.memory_space<vmem>>
      %dma_start3A_179 = tpu.memref_slice %arg2[%add3A_111] : memref<802816xi32, #tpu.memory_space<hbm>> -> memref<256xi32, #tpu.memory_space<hbm>>
      tpu.enqueue_dma source(%dma_start3A_179 : memref<256xi32, #tpu.memory_space<hbm>>) target(%dma_start3A_178 : memref<256xi32, #tpu.memory_space<vmem>>) target_semaphore(%run_scoped3A_171 : memref<!tpu.dma_semaphore, #tpu.memory_space<semaphore_mem>>)
      %dma_wait3A_180 = arith.constant 0 : i32
      %dma_wait3A_181 = tpu.memref_slice %arg9[%run_scoped3A, %dma_wait3A_180] : memref<2x256xi32, #tpu.memory_space<vmem>> -> memref<1x256xi32, #tpu.memory_space<vmem>>
      %dma_wait3A_182 = tpu.memref_squeeze %dma_wait3A_181 : memref<1x256xi32, #tpu.memory_space<vmem>> -> memref<256xi32, #tpu.memory_space<vmem>>
      %dma_wait3A_183 = tpu.memref_slice %arg2[%add3A_111] : memref<802816xi32, #tpu.memory_space<hbm>> -> memref<256xi32, #tpu.memory_space<hbm>>
      %dma_wait3A_184 = arith.constant 0 : i32
      %dma_wait3A_185 = tpu.memref_slice %arg9[%run_scoped3A, %dma_wait3A_184] : memref<2x256xi32, #tpu.memory_space<vmem>> -> memref<1x256xi32, #tpu.memory_space<vmem>>
      %dma_wait3A_186 = tpu.memref_squeeze %dma_wait3A_185 : memref<1x256xi32, #tpu.memory_space<vmem>> -> memref<256xi32, #tpu.memory_space<vmem>>
      %dma_wait3A_187 = tpu.memref_slice %arg2[%add3A_111] : memref<802816xi32, #tpu.memory_space<hbm>> -> memref<256xi32, #tpu.memory_space<hbm>>
      tpu.wait_dma2 semaphore(%run_scoped3A_171 : memref<!tpu.dma_semaphore, #tpu.memory_space<semaphore_mem>>) src(%dma_wait3A_187 : memref<256xi32, #tpu.memory_space<hbm>>) dst(%dma_wait3A_186 : memref<256xi32, #tpu.memory_space<vmem>>)
      tpu.yield
    }) : () -> ()
    %mul3A_112 = arith.constant 401408 : i32
    %mul3A_113 = arith.muli %arg0, %mul3A_112 : i32
    %add3A_114 = arith.constant 0 : i32
    %add3A_115 = arith.addi %add3A_114, %arg1 : i32
    %mul3A_116 = arith.constant 256 : i32
    %mul3A_117 = arith.muli %add3A_115, %mul3A_116 : i32
    %add3A_118 = arith.addi %mul3A_113, %mul3A_117 : i32
    %run_scoped3A_119 = arith.constant 1 : i32
    "tpu.region"() ({
      %run_scoped3A_171 = tpu.sem_alloc : memref<!tpu.dma_semaphore, #tpu.memory_space<semaphore_mem>>
      %dma_start3A_172 = arith.constant 0 : i32
      %dma_start3A_173 = tpu.memref_slice %arg9[%run_scoped3A_119, %dma_start3A_172] : memref<2x256xi32, #tpu.memory_space<vmem>> -> memref<1x256xi32, #tpu.memory_space<vmem>>
      %dma_start3A_174 = tpu.memref_squeeze %dma_start3A_173 : memref<1x256xi32, #tpu.memory_space<vmem>> -> memref<256xi32, #tpu.memory_space<vmem>>
      %dma_start3A_175 = tpu.memref_slice %arg3[%add3A_118] : memref<802816xi32, #tpu.memory_space<hbm>> -> memref<256xi32, #tpu.memory_space<hbm>>
      %dma_start3A_176 = arith.constant 0 : i32
      %dma_start3A_177 = tpu.memref_slice %arg9[%run_scoped3A_119, %dma_start3A_176] : memref<2x256xi32, #tpu.memory_space<vmem>> -> memref<1x256xi32, #tpu.memory_space<vmem>>
      %dma_start3A_178 = tpu.memref_squeeze %dma_start3A_177 : memref<1x256xi32, #tpu.memory_space<vmem>> -> memref<256xi32, #tpu.memory_space<vmem>>
      %dma_start3A_179 = tpu.memref_slice %arg3[%add3A_118] : memref<802816xi32, #tpu.memory_space<hbm>> -> memref<256xi32, #tpu.memory_space<hbm>>
      tpu.enqueue_dma source(%dma_start3A_179 : memref<256xi32, #tpu.memory_space<hbm>>) target(%dma_start3A_178 : memref<256xi32, #tpu.memory_space<vmem>>) target_semaphore(%run_scoped3A_171 : memref<!tpu.dma_semaphore, #tpu.memory_space<semaphore_mem>>)
      %dma_wait3A_180 = arith.constant 0 : i32
      %dma_wait3A_181 = tpu.memref_slice %arg9[%run_scoped3A_119, %dma_wait3A_180] : memref<2x256xi32, #tpu.memory_space<vmem>> -> memref<1x256xi32, #tpu.memory_space<vmem>>
      %dma_wait3A_182 = tpu.memref_squeeze %dma_wait3A_181 : memref<1x256xi32, #tpu.memory_space<vmem>> -> memref<256xi32, #tpu.memory_space<vmem>>
      %dma_wait3A_183 = tpu.memref_slice %arg3[%add3A_118] : memref<802816xi32, #tpu.memory_space<hbm>> -> memref<256xi32, #tpu.memory_space<hbm>>
      %dma_wait3A_184 = arith.constant 0 : i32
      %dma_wait3A_185 = tpu.memref_slice %arg9[%run_scoped3A_119, %dma_wait3A_184] : memref<2x256xi32, #tpu.memory_space<vmem>> -> memref<1x256xi32, #tpu.memory_space<vmem>>
      %dma_wait3A_186 = tpu.memref_squeeze %dma_wait3A_185 : memref<1x256xi32, #tpu.memory_space<vmem>> -> memref<256xi32, #tpu.memory_space<vmem>>
      %dma_wait3A_187 = tpu.memref_slice %arg3[%add3A_118] : memref<802816xi32, #tpu.memory_space<hbm>> -> memref<256xi32, #tpu.memory_space<hbm>>
      tpu.wait_dma2 semaphore(%run_scoped3A_171 : memref<!tpu.dma_semaphore, #tpu.memory_space<semaphore_mem>>) src(%dma_wait3A_187 : memref<256xi32, #tpu.memory_space<hbm>>) dst(%dma_wait3A_186 : memref<256xi32, #tpu.memory_space<vmem>>)
      tpu.yield
    }) : () -> ()
    %mul3A_120 = arith.constant 401408 : i32
    %mul3A_121 = arith.muli %arg0, %mul3A_120 : i32
    %add3A_122 = arith.constant 16 : i32
    %add3A_123 = arith.addi %add3A_122, %arg1 : i32
    %mul3A_124 = arith.constant 256 : i32
    %mul3A_125 = arith.muli %add3A_123, %mul3A_124 : i32
    %add3A_126 = arith.addi %mul3A_121, %mul3A_125 : i32
    %dma_start3A = arith.constant 0 : i32
    %dma_start3A_127 = arith.constant 0 : i32
    %dma_start3A_128 = tpu.memref_slice %arg10[%dma_start3A, %dma_start3A_127] : memref<2x256xi32, #tpu.memory_space<vmem>> -> memref<1x256xi32, #tpu.memory_space<vmem>>
    %dma_start3A_129 = tpu.memref_squeeze %dma_start3A_128 : memref<1x256xi32, #tpu.memory_space<vmem>> -> memref<256xi32, #tpu.memory_space<vmem>>
    %dma_start3A_130 = tpu.memref_slice %arg2[%add3A_126] : memref<802816xi32, #tpu.memory_space<hbm>> -> memref<256xi32, #tpu.memory_space<hbm>>
    %dma_start3A_131 = arith.constant 0 : i32
    %dma_start3A_132 = tpu.memref_slice %arg10[%dma_start3A, %dma_start3A_131] : memref<2x256xi32, #tpu.memory_space<vmem>> -> memref<1x256xi32, #tpu.memory_space<vmem>>
    %dma_start3A_133 = tpu.memref_squeeze %dma_start3A_132 : memref<1x256xi32, #tpu.memory_space<vmem>> -> memref<256xi32, #tpu.memory_space<vmem>>
    %dma_start3A_134 = tpu.memref_slice %arg2[%add3A_126] : memref<802816xi32, #tpu.memory_space<hbm>> -> memref<256xi32, #tpu.memory_space<hbm>>
    tpu.enqueue_dma source(%dma_start3A_134 : memref<256xi32, #tpu.memory_space<hbm>>) target(%dma_start3A_133 : memref<256xi32, #tpu.memory_space<vmem>>) target_semaphore(%arg25 : memref<!tpu.dma_semaphore, #tpu.memory_space<semaphore_mem>>)
    %mul3A_135 = arith.constant 401408 : i32
    %mul3A_136 = arith.muli %arg0, %mul3A_135 : i32
    %add3A_137 = arith.constant 16 : i32
    %add3A_138 = arith.addi %add3A_137, %arg1 : i32
    %mul3A_139 = arith.constant 256 : i32
    %mul3A_140 = arith.muli %add3A_138, %mul3A_139 : i32
    %add3A_141 = arith.addi %mul3A_136, %mul3A_140 : i32
    %dma_start3A_142 = arith.constant 1 : i32
    %dma_start3A_143 = arith.constant 0 : i32
    %dma_start3A_144 = tpu.memref_slice %arg10[%dma_start3A_142, %dma_start3A_143] : memref<2x256xi32, #tpu.memory_space<vmem>> -> memref<1x256xi32, #tpu.memory_space<vmem>>
    %dma_start3A_145 = tpu.memref_squeeze %dma_start3A_144 : memref<1x256xi32, #tpu.memory_space<vmem>> -> memref<256xi32, #tpu.memory_space<vmem>>
    %dma_start3A_146 = tpu.memref_slice %arg3[%add3A_141] : memref<802816xi32, #tpu.memory_space<hbm>> -> memref<256xi32, #tpu.memory_space<hbm>>
    %dma_start3A_147 = arith.constant 0 : i32
    %dma_start3A_148 = tpu.memref_slice %arg10[%dma_start3A_142, %dma_start3A_147] : memref<2x256xi32, #tpu.memory_space<vmem>> -> memref<1x256xi32, #tpu.memory_space<vmem>>
    %dma_start3A_149 = tpu.memref_squeeze %dma_start3A_148 : memref<1x256xi32, #tpu.memory_space<vmem>> -> memref<256xi32, #tpu.memory_space<vmem>>
    %dma_start3A_150 = tpu.memref_slice %arg3[%add3A_141] : memref<802816xi32, #tpu.memory_space<hbm>> -> memref<256xi32, #tpu.memory_space<hbm>>
    tpu.enqueue_dma source(%dma_start3A_150 : memref<256xi32, #tpu.memory_space<hbm>>) target(%dma_start3A_149 : memref<256xi32, #tpu.memory_space<vmem>>) target_semaphore(%arg25 : memref<!tpu.dma_semaphore, #tpu.memory_space<semaphore_mem>>)
    %scan3A_151 = arith.constant 0 : i32
    %scan3A_152 = arith.constant 0 : i32
    %scan3A_153 = arith.constant 49 : i32
    %scan3A_154 = arith.addi %scan3A_152, %scan3A_153 : i32
    %scan3A_155 = arith.constant 1 : i32
    %scan3A_156 = scf.for %scan3A_171 = %scan3A_152 to %scan3A_154 step %scan3A_155 iter_args(%scan3A_172 = %scan3A_151) -> (i32)  : i32 {
      %mul3A_173 = arith.constant 2 : i32
      %mul3A_174 = arith.muli %scan3A_171, %mul3A_173 : i32
      %add3A_175 = arith.constant 0 : i32
      %add3A_176 = arith.addi %mul3A_174, %add3A_175 : i32
      %ge3A = arith.constant 1 : i32
      %ge3A_177 = arith.cmpi sge, %add3A_176, %ge3A : i32
      %convert_element_type3A = arith.extui %ge3A_177 : i1 to i32
      %cond3A = arith.constant 0 : i32
      %cond3A_178 = arith.cmpi ne, %convert_element_type3A, %cond3A : i32
      scf.if %cond3A_178 {
        %dma_wait3A_521 = arith.constant 0 : i32
        %dma_wait3A_522 = arith.constant 0 : i32
        %dma_wait3A_523 = tpu.memref_slice %arg23[%dma_wait3A_521, %dma_wait3A_522] : memref<50048x16xf32, #tpu.memory_space<vmem_shared>> -> memref<50048x16xf32, #tpu.memory_space<vmem_shared>>
        tpu.wait_indirect_dma semaphore(%arg29 : memref<!tpu.dma_semaphore, #tpu.memory_space<semaphore_mem>>) src(%arg12 : memref<256x16xf32, #tpu.memory_space<vmem>>) dst(%dma_wait3A_523 : memref<50048x16xf32, #tpu.memory_space<vmem_shared>>)
        %dma_wait3A_524 = arith.constant 0 : i32
        %dma_wait3A_525 = arith.constant 0 : i32
        %dma_wait3A_526 = tpu.memref_slice %arg22[%dma_wait3A_524, %dma_wait3A_525] : memref<50048x16xf32, #tpu.memory_space<vmem_shared>> -> memref<50048x16xf32, #tpu.memory_space<vmem_shared>>
        tpu.wait_indirect_dma semaphore(%arg29 : memref<!tpu.dma_semaphore, #tpu.memory_space<semaphore_mem>>) src(%arg16 : memref<256x16xf32, #tpu.memory_space<vmem>>) dst(%dma_wait3A_526 : memref<50048x16xf32, #tpu.memory_space<vmem_shared>>)
      } else {
      }
      %add3A_179 = arith.constant 1 : i32
      %add3A_180 = arith.addi %add3A_176, %add3A_179 : i32
      %lt3A = arith.constant 98 : i32
      %lt3A_181 = arith.cmpi slt, %add3A_180, %lt3A : i32
      %convert_element_type3A_182 = arith.extui %lt3A_181 : i1 to i32
      %cond3A_183 = arith.constant 0 : i32
      %cond3A_184 = arith.cmpi ne, %convert_element_type3A_182, %cond3A_183 : i32
      scf.if %cond3A_184 {
        %add3A_521 = arith.constant 1 : i32
        %add3A_522 = arith.addi %add3A_176, %add3A_521 : i32
        %mul3A_523 = arith.constant 401408 : i32
        %mul3A_524 = arith.muli %arg0, %mul3A_523 : i32
        %mul3A_525 = arith.constant 16 : i32
        %mul3A_526 = arith.muli %add3A_522, %mul3A_525 : i32
        %add3A_527 = arith.addi %mul3A_526, %arg1 : i32
        %mul3A_528 = arith.constant 256 : i32
        %mul3A_529 = arith.muli %add3A_527, %mul3A_528 : i32
        %add3A_530 = arith.addi %mul3A_524, %mul3A_529 : i32
        %dma_wait3A_531 = arith.constant 0 : i32
        %dma_wait3A_532 = arith.constant 0 : i32
        %dma_wait3A_533 = tpu.memref_slice %arg10[%dma_wait3A_531, %dma_wait3A_532] : memref<2x256xi32, #tpu.memory_space<vmem>> -> memref<1x256xi32, #tpu.memory_space<vmem>>
        %dma_wait3A_534 = tpu.memref_squeeze %dma_wait3A_533 : memref<1x256xi32, #tpu.memory_space<vmem>> -> memref<256xi32, #tpu.memory_space<vmem>>
        %dma_wait3A_535 = tpu.memref_slice %arg2[%add3A_530] : memref<802816xi32, #tpu.memory_space<hbm>> -> memref<256xi32, #tpu.memory_space<hbm>>
        %dma_wait3A_536 = arith.constant 0 : i32
        %dma_wait3A_537 = tpu.memref_slice %arg10[%dma_wait3A_531, %dma_wait3A_536] : memref<2x256xi32, #tpu.memory_space<vmem>> -> memref<1x256xi32, #tpu.memory_space<vmem>>
        %dma_wait3A_538 = tpu.memref_squeeze %dma_wait3A_537 : memref<1x256xi32, #tpu.memory_space<vmem>> -> memref<256xi32, #tpu.memory_space<vmem>>
        %dma_wait3A_539 = tpu.memref_slice %arg2[%add3A_530] : memref<802816xi32, #tpu.memory_space<hbm>> -> memref<256xi32, #tpu.memory_space<hbm>>
        tpu.wait_dma2 semaphore(%arg25 : memref<!tpu.dma_semaphore, #tpu.memory_space<semaphore_mem>>) src(%dma_wait3A_539 : memref<256xi32, #tpu.memory_space<hbm>>) dst(%dma_wait3A_538 : memref<256xi32, #tpu.memory_space<vmem>>)
        %mul3A_540 = arith.constant 401408 : i32
        %mul3A_541 = arith.muli %arg0, %mul3A_540 : i32
        %mul3A_542 = arith.constant 16 : i32
        %mul3A_543 = arith.muli %add3A_522, %mul3A_542 : i32
        %add3A_544 = arith.addi %mul3A_543, %arg1 : i32
        %mul3A_545 = arith.constant 256 : i32
        %mul3A_546 = arith.muli %add3A_544, %mul3A_545 : i32
        %add3A_547 = arith.addi %mul3A_541, %mul3A_546 : i32
        %dma_wait3A_548 = arith.constant 1 : i32
        %dma_wait3A_549 = arith.constant 0 : i32
        %dma_wait3A_550 = tpu.memref_slice %arg10[%dma_wait3A_548, %dma_wait3A_549] : memref<2x256xi32, #tpu.memory_space<vmem>> -> memref<1x256xi32, #tpu.memory_space<vmem>>
        %dma_wait3A_551 = tpu.memref_squeeze %dma_wait3A_550 : memref<1x256xi32, #tpu.memory_space<vmem>> -> memref<256xi32, #tpu.memory_space<vmem>>
        %dma_wait3A_552 = tpu.memref_slice %arg3[%add3A_547] : memref<802816xi32, #tpu.memory_space<hbm>> -> memref<256xi32, #tpu.memory_space<hbm>>
        %dma_wait3A_553 = arith.constant 0 : i32
        %dma_wait3A_554 = tpu.memref_slice %arg10[%dma_wait3A_548, %dma_wait3A_553] : memref<2x256xi32, #tpu.memory_space<vmem>> -> memref<1x256xi32, #tpu.memory_space<vmem>>
        %dma_wait3A_555 = tpu.memref_squeeze %dma_wait3A_554 : memref<1x256xi32, #tpu.memory_space<vmem>> -> memref<256xi32, #tpu.memory_space<vmem>>
        %dma_wait3A_556 = tpu.memref_slice %arg3[%add3A_547] : memref<802816xi32, #tpu.memory_space<hbm>> -> memref<256xi32, #tpu.memory_space<hbm>>
        tpu.wait_dma2 semaphore(%arg25 : memref<!tpu.dma_semaphore, #tpu.memory_space<semaphore_mem>>) src(%dma_wait3A_556 : memref<256xi32, #tpu.memory_space<hbm>>) dst(%dma_wait3A_555 : memref<256xi32, #tpu.memory_space<vmem>>)
      } else {
      }
      %get3A_185 = arith.constant 1 : i32
      %get3A_186 = arith.index_cast %get3A_185 : i32 to index
      %get3A_187 = arith.constant 0 : index
      %get3A_188 = tpu.vector_load %arg9[%get3A_186, %get3A_187] {strides = array<i32>} : memref<2x256xi32, #tpu.memory_space<vmem>>, vector<1x16xi32>,
      %get3A_189 = vector.shape_cast %get3A_188 : vector<1x16xi32> to vector<16xi32>
      %swap3A = arith.constant 0 : index
      %swap3A_190 = tpu.vector_load %arg17[%swap3A] {strides = array<i32>} : memref<256xi32, #tpu.memory_space<vmem>>, vector<16xi32>,
      %swap3A_191 = vector.shape_cast %swap3A_190 : vector<16xi32> to vector<16xi32>
      %swap3A_192 = vector.shape_cast %get3A_189 : vector<16xi32> to vector<16xi32>
      tpu.vector_store %arg17[%swap3A], %swap3A_192 {strides = array<i32>} : memref<256xi32, #tpu.memory_space<vmem>>, vector<16xi32>,
      %get3A_193 = arith.constant 1 : i32
      %get3A_194 = arith.index_cast %get3A_193 : i32 to index
      %get3A_195 = arith.constant 16 : index
      %get3A_196 = tpu.vector_load %arg9[%get3A_194, %get3A_195] {strides = array<i32>} : memref<2x256xi32, #tpu.memory_space<vmem>>, vector<1x16xi32>,
      %get3A_197 = vector.shape_cast %get3A_196 : vector<1x16xi32> to vector<16xi32>
      %swap3A_198 = arith.constant 16 : index
      %swap3A_199 = tpu.vector_load %arg17[%swap3A_198] {strides = array<i32>} : memref<256xi32, #tpu.memory_space<vmem>>, vector<16xi32>,
      %swap3A_200 = vector.shape_cast %swap3A_199 : vector<16xi32> to vector<16xi32>
      %swap3A_201 = vector.shape_cast %get3A_197 : vector<16xi32> to vector<16xi32>
      tpu.vector_store %arg17[%swap3A_198], %swap3A_201 {strides = array<i32>} : memref<256xi32, #tpu.memory_space<vmem>>, vector<16xi32>,
      %get3A_202 = arith.constant 1 : i32
      %get3A_203 = arith.index_cast %get3A_202 : i32 to index
      %get3A_204 = arith.constant 32 : index
      %get3A_205 = tpu.vector_load %arg9[%get3A_203, %get3A_204] {strides = array<i32>} : memref<2x256xi32, #tpu.memory_space<vmem>>, vector<1x16xi32>,
      %get3A_206 = vector.shape_cast %get3A_205 : vector<1x16xi32> to vector<16xi32>
      %swap3A_207 = arith.constant 32 : index
      %swap3A_208 = tpu.vector_load %arg17[%swap3A_207] {strides = array<i32>} : memref<256xi32, #tpu.memory_space<vmem>>, vector<16xi32>,
      %swap3A_209 = vector.shape_cast %swap3A_208 : vector<16xi32> to vector<16xi32>
      %swap3A_210 = vector.shape_cast %get3A_206 : vector<16xi32> to vector<16xi32>
      tpu.vector_store %arg17[%swap3A_207], %swap3A_210 {strides = array<i32>} : memref<256xi32, #tpu.memory_space<vmem>>, vector<16xi32>,
      %get3A_211 = arith.constant 1 : i32
      %get3A_212 = arith.index_cast %get3A_211 : i32 to index
      %get3A_213 = arith.constant 48 : index
      %get3A_214 = tpu.vector_load %arg9[%get3A_212, %get3A_213] {strides = array<i32>} : memref<2x256xi32, #tpu.memory_space<vmem>>, vector<1x16xi32>,
      %get3A_215 = vector.shape_cast %get3A_214 : vector<1x16xi32> to vector<16xi32>
      %swap3A_216 = arith.constant 48 : index
      %swap3A_217 = tpu.vector_load %arg17[%swap3A_216] {strides = array<i32>} : memref<256xi32, #tpu.memory_space<vmem>>, vector<16xi32>,
      %swap3A_218 = vector.shape_cast %swap3A_217 : vector<16xi32> to vector<16xi32>
      %swap3A_219 = vector.shape_cast %get3A_215 : vector<16xi32> to vector<16xi32>
      tpu.vector_store %arg17[%swap3A_216], %swap3A_219 {strides = array<i32>} : memref<256xi32, #tpu.memory_space<vmem>>, vector<16xi32>,
      %get3A_220 = arith.constant 1 : i32
      %get3A_221 = arith.index_cast %get3A_220 : i32 to index
      %get3A_222 = arith.constant 64 : index
      %get3A_223 = tpu.vector_load %arg9[%get3A_221, %get3A_222] {strides = array<i32>} : memref<2x256xi32, #tpu.memory_space<vmem>>, vector<1x16xi32>,
      %get3A_224 = vector.shape_cast %get3A_223 : vector<1x16xi32> to vector<16xi32>
      %swap3A_225 = arith.constant 64 : index
      %swap3A_226 = tpu.vector_load %arg17[%swap3A_225] {strides = array<i32>} : memref<256xi32, #tpu.memory_space<vmem>>, vector<16xi32>,
      %swap3A_227 = vector.shape_cast %swap3A_226 : vector<16xi32> to vector<16xi32>
      %swap3A_228 = vector.shape_cast %get3A_224 : vector<16xi32> to vector<16xi32>
      tpu.vector_store %arg17[%swap3A_225], %swap3A_228 {strides = array<i32>} : memref<256xi32, #tpu.memory_space<vmem>>, vector<16xi32>,
      %get3A_229 = arith.constant 1 : i32
      %get3A_230 = arith.index_cast %get3A_229 : i32 to index
      %get3A_231 = arith.constant 80 : index
      %get3A_232 = tpu.vector_load %arg9[%get3A_230, %get3A_231] {strides = array<i32>} : memref<2x256xi32, #tpu.memory_space<vmem>>, vector<1x16xi32>,
      %get3A_233 = vector.shape_cast %get3A_232 : vector<1x16xi32> to vector<16xi32>
      %swap3A_234 = arith.constant 80 : index
      %swap3A_235 = tpu.vector_load %arg17[%swap3A_234] {strides = array<i32>} : memref<256xi32, #tpu.memory_space<vmem>>, vector<16xi32>,
      %swap3A_236 = vector.shape_cast %swap3A_235 : vector<16xi32> to vector<16xi32>
      %swap3A_237 = vector.shape_cast %get3A_233 : vector<16xi32> to vector<16xi32>
      tpu.vector_store %arg17[%swap3A_234], %swap3A_237 {strides = array<i32>} : memref<256xi32, #tpu.memory_space<vmem>>, vector<16xi32>,
      %get3A_238 = arith.constant 1 : i32
      %get3A_239 = arith.index_cast %get3A_238 : i32 to index
      %get3A_240 = arith.constant 96 : index
      %get3A_241 = tpu.vector_load %arg9[%get3A_239, %get3A_240] {strides = array<i32>} : memref<2x256xi32, #tpu.memory_space<vmem>>, vector<1x16xi32>,
      %get3A_242 = vector.shape_cast %get3A_241 : vector<1x16xi32> to vector<16xi32>
      %swap3A_243 = arith.constant 96 : index
      %swap3A_244 = tpu.vector_load %arg17[%swap3A_243] {strides = array<i32>} : memref<256xi32, #tpu.memory_space<vmem>>, vector<16xi32>,
      %swap3A_245 = vector.shape_cast %swap3A_244 : vector<16xi32> to vector<16xi32>
      %swap3A_246 = vector.shape_cast %get3A_242 : vector<16xi32> to vector<16xi32>
      tpu.vector_store %arg17[%swap3A_243], %swap3A_246 {strides = array<i32>} : memref<256xi32, #tpu.memory_space<vmem>>, vector<16xi32>,
      %get3A_247 = arith.constant 1 : i32
      %get3A_248 = arith.index_cast %get3A_247 : i32 to index
      %get3A_249 = arith.constant 112 : index
      %get3A_250 = tpu.vector_load %arg9[%get3A_248, %get3A_249] {strides = array<i32>} : memref<2x256xi32, #tpu.memory_space<vmem>>, vector<1x16xi32>,
      %get3A_251 = vector.shape_cast %get3A_250 : vector<1x16xi32> to vector<16xi32>
      %swap3A_252 = arith.constant 112 : index
      %swap3A_253 = tpu.vector_load %arg17[%swap3A_252] {strides = array<i32>} : memref<256xi32, #tpu.memory_space<vmem>>, vector<16xi32>,
      %swap3A_254 = vector.shape_cast %swap3A_253 : vector<16xi32> to vector<16xi32>
      %swap3A_255 = vector.shape_cast %get3A_251 : vector<16xi32> to vector<16xi32>
      tpu.vector_store %arg17[%swap3A_252], %swap3A_255 {strides = array<i32>} : memref<256xi32, #tpu.memory_space<vmem>>, vector<16xi32>,
      %get3A_256 = arith.constant 1 : i32
      %get3A_257 = arith.index_cast %get3A_256 : i32 to index
      %get3A_258 = arith.constant 128 : index
      %get3A_259 = tpu.vector_load %arg9[%get3A_257, %get3A_258] {strides = array<i32>} : memref<2x256xi32, #tpu.memory_space<vmem>>, vector<1x16xi32>,
      %get3A_260 = vector.shape_cast %get3A_259 : vector<1x16xi32> to vector<16xi32>
      %swap3A_261 = arith.constant 128 : index
      %swap3A_262 = tpu.vector_load %arg17[%swap3A_261] {strides = array<i32>} : memref<256xi32, #tpu.memory_space<vmem>>, vector<16xi32>,
      %swap3A_263 = vector.shape_cast %swap3A_262 : vector<16xi32> to vector<16xi32>
      %swap3A_264 = vector.shape_cast %get3A_260 : vector<16xi32> to vector<16xi32>
      tpu.vector_store %arg17[%swap3A_261], %swap3A_264 {strides = array<i32>} : memref<256xi32, #tpu.memory_space<vmem>>, vector<16xi32>,
      %get3A_265 = arith.constant 1 : i32
      %get3A_266 = arith.index_cast %get3A_265 : i32 to index
      %get3A_267 = arith.constant 144 : index
      %get3A_268 = tpu.vector_load %arg9[%get3A_266, %get3A_267] {strides = array<i32>} : memref<2x256xi32, #tpu.memory_space<vmem>>, vector<1x16xi32>,
      %get3A_269 = vector.shape_cast %get3A_268 : vector<1x16xi32> to vector<16xi32>
      %swap3A_270 = arith.constant 144 : index
      %swap3A_271 = tpu.vector_load %arg17[%swap3A_270] {strides = array<i32>} : memref<256xi32, #tpu.memory_space<vmem>>, vector<16xi32>,
      %swap3A_272 = vector.shape_cast %swap3A_271 : vector<16xi32> to vector<16xi32>
      %swap3A_273 = vector.shape_cast %get3A_269 : vector<16xi32> to vector<16xi32>
      tpu.vector_store %arg17[%swap3A_270], %swap3A_273 {strides = array<i32>} : memref<256xi32, #tpu.memory_space<vmem>>, vector<16xi32>,
      %get3A_274 = arith.constant 1 : i32
      %get3A_275 = arith.index_cast %get3A_274 : i32 to index
      %get3A_276 = arith.constant 160 : index
      %get3A_277 = tpu.vector_load %arg9[%get3A_275, %get3A_276] {strides = array<i32>} : memref<2x256xi32, #tpu.memory_space<vmem>>, vector<1x16xi32>,
      %get3A_278 = vector.shape_cast %get3A_277 : vector<1x16xi32> to vector<16xi32>
      %swap3A_279 = arith.constant 160 : index
      %swap3A_280 = tpu.vector_load %arg17[%swap3A_279] {strides = array<i32>} : memref<256xi32, #tpu.memory_space<vmem>>, vector<16xi32>,
      %swap3A_281 = vector.shape_cast %swap3A_280 : vector<16xi32> to vector<16xi32>
      %swap3A_282 = vector.shape_cast %get3A_278 : vector<16xi32> to vector<16xi32>
      tpu.vector_store %arg17[%swap3A_279], %swap3A_282 {strides = array<i32>} : memref<256xi32, #tpu.memory_space<vmem>>, vector<16xi32>,
      %get3A_283 = arith.constant 1 : i32
      %get3A_284 = arith.index_cast %get3A_283 : i32 to index
      %get3A_285 = arith.constant 176 : index
      %get3A_286 = tpu.vector_load %arg9[%get3A_284, %get3A_285] {strides = array<i32>} : memref<2x256xi32, #tpu.memory_space<vmem>>, vector<1x16xi32>,
      %get3A_287 = vector.shape_cast %get3A_286 : vector<1x16xi32> to vector<16xi32>
      %swap3A_288 = arith.constant 176 : index
      %swap3A_289 = tpu.vector_load %arg17[%swap3A_288] {strides = array<i32>} : memref<256xi32, #tpu.memory_space<vmem>>, vector<16xi32>,
      %swap3A_290 = vector.shape_cast %swap3A_289 : vector<16xi32> to vector<16xi32>
      %swap3A_291 = vector.shape_cast %get3A_287 : vector<16xi32> to vector<16xi32>
      tpu.vector_store %arg17[%swap3A_288], %swap3A_291 {strides = array<i32>} : memref<256xi32, #tpu.memory_space<vmem>>, vector<16xi32>,
      %get3A_292 = arith.constant 1 : i32
      %get3A_293 = arith.index_cast %get3A_292 : i32 to index
      %get3A_294 = arith.constant 192 : index
      %get3A_295 = tpu.vector_load %arg9[%get3A_293, %get3A_294] {strides = array<i32>} : memref<2x256xi32, #tpu.memory_space<vmem>>, vector<1x16xi32>,
      %get3A_296 = vector.shape_cast %get3A_295 : vector<1x16xi32> to vector<16xi32>
      %swap3A_297 = arith.constant 192 : index
      %swap3A_298 = tpu.vector_load %arg17[%swap3A_297] {strides = array<i32>} : memref<256xi32, #tpu.memory_space<vmem>>, vector<16xi32>,
      %swap3A_299 = vector.shape_cast %swap3A_298 : vector<16xi32> to vector<16xi32>
      %swap3A_300 = vector.shape_cast %get3A_296 : vector<16xi32> to vector<16xi32>
      tpu.vector_store %arg17[%swap3A_297], %swap3A_300 {strides = array<i32>} : memref<256xi32, #tpu.memory_space<vmem>>, vector<16xi32>,
      %get3A_301 = arith.constant 1 : i32
      %get3A_302 = arith.index_cast %get3A_301 : i32 to index
      %get3A_303 = arith.constant 208 : index
      %get3A_304 = tpu.vector_load %arg9[%get3A_302, %get3A_303] {strides = array<i32>} : memref<2x256xi32, #tpu.memory_space<vmem>>, vector<1x16xi32>,
      %get3A_305 = vector.shape_cast %get3A_304 : vector<1x16xi32> to vector<16xi32>
      %swap3A_306 = arith.constant 208 : index
      %swap3A_307 = tpu.vector_load %arg17[%swap3A_306] {strides = array<i32>} : memref<256xi32, #tpu.memory_space<vmem>>, vector<16xi32>,
      %swap3A_308 = vector.shape_cast %swap3A_307 : vector<16xi32> to vector<16xi32>
      %swap3A_309 = vector.shape_cast %get3A_305 : vector<16xi32> to vector<16xi32>
      tpu.vector_store %arg17[%swap3A_306], %swap3A_309 {strides = array<i32>} : memref<256xi32, #tpu.memory_space<vmem>>, vector<16xi32>,
      %get3A_310 = arith.constant 1 : i32
      %get3A_311 = arith.index_cast %get3A_310 : i32 to index
      %get3A_312 = arith.constant 224 : index
      %get3A_313 = tpu.vector_load %arg9[%get3A_311, %get3A_312] {strides = array<i32>} : memref<2x256xi32, #tpu.memory_space<vmem>>, vector<1x16xi32>,
      %get3A_314 = vector.shape_cast %get3A_313 : vector<1x16xi32> to vector<16xi32>
      %swap3A_315 = arith.constant 224 : index
      %swap3A_316 = tpu.vector_load %arg17[%swap3A_315] {strides = array<i32>} : memref<256xi32, #tpu.memory_space<vmem>>, vector<16xi32>,
      %swap3A_317 = vector.shape_cast %swap3A_316 : vector<16xi32> to vector<16xi32>
      %swap3A_318 = vector.shape_cast %get3A_314 : vector<16xi32> to vector<16xi32>
      tpu.vector_store %arg17[%swap3A_315], %swap3A_318 {strides = array<i32>} : memref<256xi32, #tpu.memory_space<vmem>>, vector<16xi32>,
      %get3A_319 = arith.constant 1 : i32
      %get3A_320 = arith.index_cast %get3A_319 : i32 to index
      %get3A_321 = arith.constant 240 : index
      %get3A_322 = tpu.vector_load %arg9[%get3A_320, %get3A_321] {strides = array<i32>} : memref<2x256xi32, #tpu.memory_space<vmem>>, vector<1x16xi32>,
      %get3A_323 = vector.shape_cast %get3A_322 : vector<1x16xi32> to vector<16xi32>
      %swap3A_324 = arith.constant 240 : index
      %swap3A_325 = tpu.vector_load %arg17[%swap3A_324] {strides = array<i32>} : memref<256xi32, #tpu.memory_space<vmem>>, vector<16xi32>,
      %swap3A_326 = vector.shape_cast %swap3A_325 : vector<16xi32> to vector<16xi32>
      %swap3A_327 = vector.shape_cast %get3A_323 : vector<16xi32> to vector<16xi32>
      tpu.vector_store %arg17[%swap3A_324], %swap3A_327 {strides = array<i32>} : memref<256xi32, #tpu.memory_space<vmem>>, vector<16xi32>,
      %add3A_328 = arith.constant 2 : i32
      %add3A_329 = arith.addi %add3A_176, %add3A_328 : i32
      %lt3A_330 = arith.constant 98 : i32
      %lt3A_331 = arith.cmpi slt, %add3A_329, %lt3A_330 : i32
      %convert_element_type3A_332 = arith.extui %lt3A_331 : i1 to i32
      %cond3A_333 = arith.constant 0 : i32
      %cond3A_334 = arith.cmpi ne, %convert_element_type3A_332, %cond3A_333 : i32
      scf.if %cond3A_334 {
        %add3A_521 = arith.constant 2 : i32
        %add3A_522 = arith.addi %add3A_176, %add3A_521 : i32
        %mul3A_523 = arith.constant 401408 : i32
        %mul3A_524 = arith.muli %arg0, %mul3A_523 : i32
        %mul3A_525 = arith.constant 16 : i32
        %mul3A_526 = arith.muli %add3A_522, %mul3A_525 : i32
        %add3A_527 = arith.addi %mul3A_526, %arg1 : i32
        %mul3A_528 = arith.constant 256 : i32
        %mul3A_529 = arith.muli %add3A_527, %mul3A_528 : i32
        %add3A_530 = arith.addi %mul3A_524, %mul3A_529 : i32
        %dma_start3A_531 = arith.constant 0 : i32
        %dma_start3A_532 = arith.constant 0 : i32
        %dma_start3A_533 = tpu.memref_slice %arg9[%dma_start3A_531, %dma_start3A_532] : memref<2x256xi32, #tpu.memory_space<vmem>> -> memref<1x256xi32, #tpu.memory_space<vmem>>
        %dma_start3A_534 = tpu.memref_squeeze %dma_start3A_533 : memref<1x256xi32, #tpu.memory_space<vmem>> -> memref<256xi32, #tpu.memory_space<vmem>>
        %dma_start3A_535 = tpu.memref_slice %arg2[%add3A_530] : memref<802816xi32, #tpu.memory_space<hbm>> -> memref<256xi32, #tpu.memory_space<hbm>>
        %dma_start3A_536 = arith.constant 0 : i32
        %dma_start3A_537 = tpu.memref_slice %arg9[%dma_start3A_531, %dma_start3A_536] : memref<2x256xi32, #tpu.memory_space<vmem>> -> memref<1x256xi32, #tpu.memory_space<vmem>>
        %dma_start3A_538 = tpu.memref_squeeze %dma_start3A_537 : memref<1x256xi32, #tpu.memory_space<vmem>> -> memref<256xi32, #tpu.memory_space<vmem>>
        %dma_start3A_539 = tpu.memref_slice %arg2[%add3A_530] : memref<802816xi32, #tpu.memory_space<hbm>> -> memref<256xi32, #tpu.memory_space<hbm>>
        tpu.enqueue_dma source(%dma_start3A_539 : memref<256xi32, #tpu.memory_space<hbm>>) target(%dma_start3A_538 : memref<256xi32, #tpu.memory_space<vmem>>) target_semaphore(%arg24 : memref<!tpu.dma_semaphore, #tpu.memory_space<semaphore_mem>>)
        %mul3A_540 = arith.constant 401408 : i32
        %mul3A_541 = arith.muli %arg0, %mul3A_540 : i32
        %mul3A_542 = arith.constant 16 : i32
        %mul3A_543 = arith.muli %add3A_522, %mul3A_542 : i32
        %add3A_544 = arith.addi %mul3A_543, %arg1 : i32
        %mul3A_545 = arith.constant 256 : i32
        %mul3A_546 = arith.muli %add3A_544, %mul3A_545 : i32
        %add3A_547 = arith.addi %mul3A_541, %mul3A_546 : i32
        %dma_start3A_548 = arith.constant 1 : i32
        %dma_start3A_549 = arith.constant 0 : i32
        %dma_start3A_550 = tpu.memref_slice %arg9[%dma_start3A_548, %dma_start3A_549] : memref<2x256xi32, #tpu.memory_space<vmem>> -> memref<1x256xi32, #tpu.memory_space<vmem>>
        %dma_start3A_551 = tpu.memref_squeeze %dma_start3A_550 : memref<1x256xi32, #tpu.memory_space<vmem>> -> memref<256xi32, #tpu.memory_space<vmem>>
        %dma_start3A_552 = tpu.memref_slice %arg3[%add3A_547] : memref<802816xi32, #tpu.memory_space<hbm>> -> memref<256xi32, #tpu.memory_space<hbm>>
        %dma_start3A_553 = arith.constant 0 : i32
        %dma_start3A_554 = tpu.memref_slice %arg9[%dma_start3A_548, %dma_start3A_553] : memref<2x256xi32, #tpu.memory_space<vmem>> -> memref<1x256xi32, #tpu.memory_space<vmem>>
        %dma_start3A_555 = tpu.memref_squeeze %dma_start3A_554 : memref<1x256xi32, #tpu.memory_space<vmem>> -> memref<256xi32, #tpu.memory_space<vmem>>
        %dma_start3A_556 = tpu.memref_slice %arg3[%add3A_547] : memref<802816xi32, #tpu.memory_space<hbm>> -> memref<256xi32, #tpu.memory_space<hbm>>
        tpu.enqueue_dma source(%dma_start3A_556 : memref<256xi32, #tpu.memory_space<hbm>>) target(%dma_start3A_555 : memref<256xi32, #tpu.memory_space<vmem>>) target_semaphore(%arg24 : memref<!tpu.dma_semaphore, #tpu.memory_space<semaphore_mem>>)
      } else {
      }
      %parallel_loop3A_335 = arith.constant 0 : i32
      %parallel_loop3A_336 = arith.constant 256 : i32
      %parallel_loop3A_337 = arith.constant 1 : i32
      scf.for %parallel_loop3A_521 = %parallel_loop3A_335 to %parallel_loop3A_336 step %parallel_loop3A_337  : i32 {
        %parallel_loop3A_522 = arith.index_cast %parallel_loop3A_521 : i32 to index
        %parallel_loop3A_523 = arith.constant 0 : index
        %parallel_loop3A_524 = tpu.vector_load %arg11[%parallel_loop3A_522, %parallel_loop3A_523] {strides = array<i32>} : memref<256x16xf32, #tpu.memory_space<vmem>>, vector<1x16xf32>,
        %parallel_loop3A_525 = vector.shape_cast %parallel_loop3A_524 : vector<1x16xf32> to vector<16xf32>
        %parallel_loop3A_526 = arith.index_cast %parallel_loop3A_521 : i32 to index
        %parallel_loop3A_527 = arith.constant 0 : index
        %parallel_loop3A_528 = tpu.vector_load %arg13[%parallel_loop3A_526, %parallel_loop3A_527] {strides = array<i32>} : memref<256x16xf32, #tpu.memory_space<vmem>>, vector<1x16xf32>,
        %parallel_loop3A_529 = vector.shape_cast %parallel_loop3A_528 : vector<1x16xf32> to vector<16xf32>
        %parallel_loop3A_530 = arith.addf %parallel_loop3A_525, %parallel_loop3A_529 : vector<16xf32>
        %parallel_loop3A_531 = arith.constant 2.000000e-01 : f32
        %parallel_loop3A_532 = vector.broadcast %parallel_loop3A_531 : f32 to vector<16xf32>
        %parallel_loop3A_533 = arith.mulf %parallel_loop3A_530, %parallel_loop3A_532 : vector<16xf32>
        %parallel_loop3A_534 = arith.maximumf %parallel_loop3A_530, %parallel_loop3A_533 : vector<16xf32>
        %parallel_loop3A_535 = arith.subf %parallel_loop3A_534, %max3A_94 : vector<16xf32>
        %parallel_loop3A_536 = math.exp %parallel_loop3A_535 : vector<16xf32>
        %parallel_loop3A_537 = arith.index_cast %parallel_loop3A_521 : i32 to index
        %parallel_loop3A_538 = arith.constant 0 : index
        %parallel_loop3A_539 = tpu.vector_load %arg11[%parallel_loop3A_537, %parallel_loop3A_538] {strides = array<i32>} : memref<256x16xf32, #tpu.memory_space<vmem>>, vector<1x16xf32>,
        %parallel_loop3A_540 = vector.shape_cast %parallel_loop3A_539 : vector<1x16xf32> to vector<16xf32>
        %parallel_loop3A_541 = vector.shape_cast %parallel_loop3A_536 : vector<16xf32> to vector<1x16xf32>
        tpu.vector_store %arg11[%parallel_loop3A_537, %parallel_loop3A_538], %parallel_loop3A_541 {strides = array<i32>} : memref<256x16xf32, #tpu.memory_space<vmem>>, vector<1x16xf32>,
        %parallel_loop3A_542 = arith.index_cast %parallel_loop3A_521 : i32 to index
        %parallel_loop3A_543 = arith.constant 0 : index
        %parallel_loop3A_544 = tpu.vector_load %arg15[%parallel_loop3A_542, %parallel_loop3A_543] {strides = array<i32>} : memref<256x16xf32, #tpu.memory_space<vmem>>, vector<1x16xf32>,
        %parallel_loop3A_545 = vector.shape_cast %parallel_loop3A_544 : vector<1x16xf32> to vector<16xf32>
        %parallel_loop3A_546 = arith.mulf %parallel_loop3A_536, %parallel_loop3A_545 : vector<16xf32>
        %parallel_loop3A_547 = arith.index_cast %parallel_loop3A_521 : i32 to index
        %parallel_loop3A_548 = arith.constant 0 : index
        %parallel_loop3A_549 = tpu.vector_load %arg15[%parallel_loop3A_547, %parallel_loop3A_548] {strides = array<i32>} : memref<256x16xf32, #tpu.memory_space<vmem>>, vector<1x16xf32>,
        %parallel_loop3A_550 = vector.shape_cast %parallel_loop3A_549 : vector<1x16xf32> to vector<16xf32>
        %parallel_loop3A_551 = vector.shape_cast %parallel_loop3A_546 : vector<16xf32> to vector<1x16xf32>
        tpu.vector_store %arg15[%parallel_loop3A_547, %parallel_loop3A_548], %parallel_loop3A_551 {strides = array<i32>} : memref<256x16xf32, #tpu.memory_space<vmem>>, vector<1x16xf32>,
      } {sc.loop_unroll_factor = 8 : i64, sc.parallel_access}
      %dma_start3A_338 = arith.constant 0 : i32
      %dma_start3A_339 = arith.constant 0 : i32
      %dma_start3A_340 = tpu.memref_slice %arg23[%dma_start3A_338, %dma_start3A_339] : memref<50048x16xf32, #tpu.memory_space<vmem_shared>> -> memref<50048x16xf32, #tpu.memory_space<vmem_shared>>
      tpu.enqueue_indirect_dma source(%arg11 : memref<256x16xf32, #tpu.memory_space<vmem>>) target(%dma_start3A_340 : memref<50048x16xf32, #tpu.memory_space<vmem_shared>>) offsets(%arg17 : memref<256xi32, #tpu.memory_space<vmem>>) semaphore(%arg28 : memref<!tpu.dma_semaphore, #tpu.memory_space<semaphore_mem>>) {add = true}
      %dma_start3A_341 = arith.constant 0 : i32
      %dma_start3A_342 = arith.constant 0 : i32
      %dma_start3A_343 = tpu.memref_slice %arg22[%dma_start3A_341, %dma_start3A_342] : memref<50048x16xf32, #tpu.memory_space<vmem_shared>> -> memref<50048x16xf32, #tpu.memory_space<vmem_shared>>
      tpu.enqueue_indirect_dma source(%arg15 : memref<256x16xf32, #tpu.memory_space<vmem>>) target(%dma_start3A_343 : memref<50048x16xf32, #tpu.memory_space<vmem_shared>>) offsets(%arg17 : memref<256xi32, #tpu.memory_space<vmem>>) semaphore(%arg28 : memref<!tpu.dma_semaphore, #tpu.memory_space<semaphore_mem>>) {add = true}
      %mul3A_344 = arith.constant 2 : i32
      %mul3A_345 = arith.muli %scan3A_171, %mul3A_344 : i32
      %add3A_346 = arith.constant 1 : i32
      %add3A_347 = arith.addi %mul3A_345, %add3A_346 : i32
      %ge3A_348 = arith.constant 1 : i32
      %ge3A_349 = arith.cmpi sge, %add3A_347, %ge3A_348 : i32
      %convert_element_type3A_350 = arith.extui %ge3A_349 : i1 to i32
      %cond3A_351 = arith.constant 0 : i32
      %cond3A_352 = arith.cmpi ne, %convert_element_type3A_350, %cond3A_351 : i32
      scf.if %cond3A_352 {
        %dma_wait3A_521 = arith.constant 0 : i32
        %dma_wait3A_522 = arith.constant 0 : i32
        %dma_wait3A_523 = tpu.memref_slice %arg23[%dma_wait3A_521, %dma_wait3A_522] : memref<50048x16xf32, #tpu.memory_space<vmem_shared>> -> memref<50048x16xf32, #tpu.memory_space<vmem_shared>>
        tpu.wait_indirect_dma semaphore(%arg28 : memref<!tpu.dma_semaphore, #tpu.memory_space<semaphore_mem>>) src(%arg11 : memref<256x16xf32, #tpu.memory_space<vmem>>) dst(%dma_wait3A_523 : memref<50048x16xf32, #tpu.memory_space<vmem_shared>>)
        %dma_wait3A_524 = arith.constant 0 : i32
        %dma_wait3A_525 = arith.constant 0 : i32
        %dma_wait3A_526 = tpu.memref_slice %arg22[%dma_wait3A_524, %dma_wait3A_525] : memref<50048x16xf32, #tpu.memory_space<vmem_shared>> -> memref<50048x16xf32, #tpu.memory_space<vmem_shared>>
        tpu.wait_indirect_dma semaphore(%arg28 : memref<!tpu.dma_semaphore, #tpu.memory_space<semaphore_mem>>) src(%arg15 : memref<256x16xf32, #tpu.memory_space<vmem>>) dst(%dma_wait3A_526 : memref<50048x16xf32, #tpu.memory_space<vmem_shared>>)
      } else {
      }
      %add3A_353 = arith.constant 1 : i32
      %add3A_354 = arith.addi %add3A_347, %add3A_353 : i32
      %lt3A_355 = arith.constant 98 : i32
      %lt3A_356 = arith.cmpi slt, %add3A_354, %lt3A_355 : i32
      %convert_element_type3A_357 = arith.extui %lt3A_356 : i1 to i32
      %cond3A_358 = arith.constant 0 : i32
      %cond3A_359 = arith.cmpi ne, %convert_element_type3A_357, %cond3A_358 : i32
      scf.if %cond3A_359 {
        %add3A_521 = arith.constant 1 : i32
        %add3A_522 = arith.addi %add3A_347, %add3A_521 : i32
        %mul3A_523 = arith.constant 401408 : i32
        %mul3A_524 = arith.muli %arg0, %mul3A_523 : i32
        %mul3A_525 = arith.constant 16 : i32
        %mul3A_526 = arith.muli %add3A_522, %mul3A_525 : i32
        %add3A_527 = arith.addi %mul3A_526, %arg1 : i32
        %mul3A_528 = arith.constant 256 : i32
        %mul3A_529 = arith.muli %add3A_527, %mul3A_528 : i32
        %add3A_530 = arith.addi %mul3A_524, %mul3A_529 : i32
        %dma_wait3A_531 = arith.constant 0 : i32
        %dma_wait3A_532 = arith.constant 0 : i32
        %dma_wait3A_533 = tpu.memref_slice %arg9[%dma_wait3A_531, %dma_wait3A_532] : memref<2x256xi32, #tpu.memory_space<vmem>> -> memref<1x256xi32, #tpu.memory_space<vmem>>
        %dma_wait3A_534 = tpu.memref_squeeze %dma_wait3A_533 : memref<1x256xi32, #tpu.memory_space<vmem>> -> memref<256xi32, #tpu.memory_space<vmem>>
        %dma_wait3A_535 = tpu.memref_slice %arg2[%add3A_530] : memref<802816xi32, #tpu.memory_space<hbm>> -> memref<256xi32, #tpu.memory_space<hbm>>
        %dma_wait3A_536 = arith.constant 0 : i32
        %dma_wait3A_537 = tpu.memref_slice %arg9[%dma_wait3A_531, %dma_wait3A_536] : memref<2x256xi32, #tpu.memory_space<vmem>> -> memref<1x256xi32, #tpu.memory_space<vmem>>
        %dma_wait3A_538 = tpu.memref_squeeze %dma_wait3A_537 : memref<1x256xi32, #tpu.memory_space<vmem>> -> memref<256xi32, #tpu.memory_space<vmem>>
        %dma_wait3A_539 = tpu.memref_slice %arg2[%add3A_530] : memref<802816xi32, #tpu.memory_space<hbm>> -> memref<256xi32, #tpu.memory_space<hbm>>
        tpu.wait_dma2 semaphore(%arg24 : memref<!tpu.dma_semaphore, #tpu.memory_space<semaphore_mem>>) src(%dma_wait3A_539 : memref<256xi32, #tpu.memory_space<hbm>>) dst(%dma_wait3A_538 : memref<256xi32, #tpu.memory_space<vmem>>)
        %mul3A_540 = arith.constant 401408 : i32
        %mul3A_541 = arith.muli %arg0, %mul3A_540 : i32
        %mul3A_542 = arith.constant 16 : i32
        %mul3A_543 = arith.muli %add3A_522, %mul3A_542 : i32
        %add3A_544 = arith.addi %mul3A_543, %arg1 : i32
        %mul3A_545 = arith.constant 256 : i32
        %mul3A_546 = arith.muli %add3A_544, %mul3A_545 : i32
        %add3A_547 = arith.addi %mul3A_541, %mul3A_546 : i32
        %dma_wait3A_548 = arith.constant 1 : i32
        %dma_wait3A_549 = arith.constant 0 : i32
        %dma_wait3A_550 = tpu.memref_slice %arg9[%dma_wait3A_548, %dma_wait3A_549] : memref<2x256xi32, #tpu.memory_space<vmem>> -> memref<1x256xi32, #tpu.memory_space<vmem>>
        %dma_wait3A_551 = tpu.memref_squeeze %dma_wait3A_550 : memref<1x256xi32, #tpu.memory_space<vmem>> -> memref<256xi32, #tpu.memory_space<vmem>>
        %dma_wait3A_552 = tpu.memref_slice %arg3[%add3A_547] : memref<802816xi32, #tpu.memory_space<hbm>> -> memref<256xi32, #tpu.memory_space<hbm>>
        %dma_wait3A_553 = arith.constant 0 : i32
        %dma_wait3A_554 = tpu.memref_slice %arg9[%dma_wait3A_548, %dma_wait3A_553] : memref<2x256xi32, #tpu.memory_space<vmem>> -> memref<1x256xi32, #tpu.memory_space<vmem>>
        %dma_wait3A_555 = tpu.memref_squeeze %dma_wait3A_554 : memref<1x256xi32, #tpu.memory_space<vmem>> -> memref<256xi32, #tpu.memory_space<vmem>>
        %dma_wait3A_556 = tpu.memref_slice %arg3[%add3A_547] : memref<802816xi32, #tpu.memory_space<hbm>> -> memref<256xi32, #tpu.memory_space<hbm>>
        tpu.wait_dma2 semaphore(%arg24 : memref<!tpu.dma_semaphore, #tpu.memory_space<semaphore_mem>>) src(%dma_wait3A_556 : memref<256xi32, #tpu.memory_space<hbm>>) dst(%dma_wait3A_555 : memref<256xi32, #tpu.memory_space<vmem>>)
      } else {
      }
      %get3A_360 = arith.constant 1 : i32
      %get3A_361 = arith.index_cast %get3A_360 : i32 to index
      %get3A_362 = arith.constant 0 : index
      %get3A_363 = tpu.vector_load %arg10[%get3A_361, %get3A_362] {strides = array<i32>} : memref<2x256xi32, #tpu.memory_space<vmem>>, vector<1x16xi32>,
      %get3A_364 = vector.shape_cast %get3A_363 : vector<1x16xi32> to vector<16xi32>
      %swap3A_365 = arith.constant 0 : index
      %swap3A_366 = tpu.vector_load %arg18[%swap3A_365] {strides = array<i32>} : memref<256xi32, #tpu.memory_space<vmem>>, vector<16xi32>,
      %swap3A_367 = vector.shape_cast %swap3A_366 : vector<16xi32> to vector<16xi32>
      %swap3A_368 = vector.shape_cast %get3A_364 : vector<16xi32> to vector<16xi32>
      tpu.vector_store %arg18[%swap3A_365], %swap3A_368 {strides = array<i32>} : memref<256xi32, #tpu.memory_space<vmem>>, vector<16xi32>,
      %get3A_369 = arith.constant 1 : i32
      %get3A_370 = arith.index_cast %get3A_369 : i32 to index
      %get3A_371 = arith.constant 16 : index
      %get3A_372 = tpu.vector_load %arg10[%get3A_370, %get3A_371] {strides = array<i32>} : memref<2x256xi32, #tpu.memory_space<vmem>>, vector<1x16xi32>,
      %get3A_373 = vector.shape_cast %get3A_372 : vector<1x16xi32> to vector<16xi32>
      %swap3A_374 = arith.constant 16 : index
      %swap3A_375 = tpu.vector_load %arg18[%swap3A_374] {strides = array<i32>} : memref<256xi32, #tpu.memory_space<vmem>>, vector<16xi32>,
      %swap3A_376 = vector.shape_cast %swap3A_375 : vector<16xi32> to vector<16xi32>
      %swap3A_377 = vector.shape_cast %get3A_373 : vector<16xi32> to vector<16xi32>
      tpu.vector_store %arg18[%swap3A_374], %swap3A_377 {strides = array<i32>} : memref<256xi32, #tpu.memory_space<vmem>>, vector<16xi32>,
      %get3A_378 = arith.constant 1 : i32
      %get3A_379 = arith.index_cast %get3A_378 : i32 to index
      %get3A_380 = arith.constant 32 : index
      %get3A_381 = tpu.vector_load %arg10[%get3A_379, %get3A_380] {strides = array<i32>} : memref<2x256xi32, #tpu.memory_space<vmem>>, vector<1x16xi32>,
      %get3A_382 = vector.shape_cast %get3A_381 : vector<1x16xi32> to vector<16xi32>
      %swap3A_383 = arith.constant 32 : index
      %swap3A_384 = tpu.vector_load %arg18[%swap3A_383] {strides = array<i32>} : memref<256xi32, #tpu.memory_space<vmem>>, vector<16xi32>,
      %swap3A_385 = vector.shape_cast %swap3A_384 : vector<16xi32> to vector<16xi32>
      %swap3A_386 = vector.shape_cast %get3A_382 : vector<16xi32> to vector<16xi32>
      tpu.vector_store %arg18[%swap3A_383], %swap3A_386 {strides = array<i32>} : memref<256xi32, #tpu.memory_space<vmem>>, vector<16xi32>,
      %get3A_387 = arith.constant 1 : i32
      %get3A_388 = arith.index_cast %get3A_387 : i32 to index
      %get3A_389 = arith.constant 48 : index
      %get3A_390 = tpu.vector_load %arg10[%get3A_388, %get3A_389] {strides = array<i32>} : memref<2x256xi32, #tpu.memory_space<vmem>>, vector<1x16xi32>,
      %get3A_391 = vector.shape_cast %get3A_390 : vector<1x16xi32> to vector<16xi32>
      %swap3A_392 = arith.constant 48 : index
      %swap3A_393 = tpu.vector_load %arg18[%swap3A_392] {strides = array<i32>} : memref<256xi32, #tpu.memory_space<vmem>>, vector<16xi32>,
      %swap3A_394 = vector.shape_cast %swap3A_393 : vector<16xi32> to vector<16xi32>
      %swap3A_395 = vector.shape_cast %get3A_391 : vector<16xi32> to vector<16xi32>
      tpu.vector_store %arg18[%swap3A_392], %swap3A_395 {strides = array<i32>} : memref<256xi32, #tpu.memory_space<vmem>>, vector<16xi32>,
      %get3A_396 = arith.constant 1 : i32
      %get3A_397 = arith.index_cast %get3A_396 : i32 to index
      %get3A_398 = arith.constant 64 : index
      %get3A_399 = tpu.vector_load %arg10[%get3A_397, %get3A_398] {strides = array<i32>} : memref<2x256xi32, #tpu.memory_space<vmem>>, vector<1x16xi32>,
      %get3A_400 = vector.shape_cast %get3A_399 : vector<1x16xi32> to vector<16xi32>
      %swap3A_401 = arith.constant 64 : index
      %swap3A_402 = tpu.vector_load %arg18[%swap3A_401] {strides = array<i32>} : memref<256xi32, #tpu.memory_space<vmem>>, vector<16xi32>,
      %swap3A_403 = vector.shape_cast %swap3A_402 : vector<16xi32> to vector<16xi32>
      %swap3A_404 = vector.shape_cast %get3A_400 : vector<16xi32> to vector<16xi32>
      tpu.vector_store %arg18[%swap3A_401], %swap3A_404 {strides = array<i32>} : memref<256xi32, #tpu.memory_space<vmem>>, vector<16xi32>,
      %get3A_405 = arith.constant 1 : i32
      %get3A_406 = arith.index_cast %get3A_405 : i32 to index
      %get3A_407 = arith.constant 80 : index
      %get3A_408 = tpu.vector_load %arg10[%get3A_406, %get3A_407] {strides = array<i32>} : memref<2x256xi32, #tpu.memory_space<vmem>>, vector<1x16xi32>,
      %get3A_409 = vector.shape_cast %get3A_408 : vector<1x16xi32> to vector<16xi32>
      %swap3A_410 = arith.constant 80 : index
      %swap3A_411 = tpu.vector_load %arg18[%swap3A_410] {strides = array<i32>} : memref<256xi32, #tpu.memory_space<vmem>>, vector<16xi32>,
      %swap3A_412 = vector.shape_cast %swap3A_411 : vector<16xi32> to vector<16xi32>
      %swap3A_413 = vector.shape_cast %get3A_409 : vector<16xi32> to vector<16xi32>
      tpu.vector_store %arg18[%swap3A_410], %swap3A_413 {strides = array<i32>} : memref<256xi32, #tpu.memory_space<vmem>>, vector<16xi32>,
      %get3A_414 = arith.constant 1 : i32
      %get3A_415 = arith.index_cast %get3A_414 : i32 to index
      %get3A_416 = arith.constant 96 : index
      %get3A_417 = tpu.vector_load %arg10[%get3A_415, %get3A_416] {strides = array<i32>} : memref<2x256xi32, #tpu.memory_space<vmem>>, vector<1x16xi32>,
      %get3A_418 = vector.shape_cast %get3A_417 : vector<1x16xi32> to vector<16xi32>
      %swap3A_419 = arith.constant 96 : index
      %swap3A_420 = tpu.vector_load %arg18[%swap3A_419] {strides = array<i32>} : memref<256xi32, #tpu.memory_space<vmem>>, vector<16xi32>,
      %swap3A_421 = vector.shape_cast %swap3A_420 : vector<16xi32> to vector<16xi32>
      %swap3A_422 = vector.shape_cast %get3A_418 : vector<16xi32> to vector<16xi32>
      tpu.vector_store %arg18[%swap3A_419], %swap3A_422 {strides = array<i32>} : memref<256xi32, #tpu.memory_space<vmem>>, vector<16xi32>,
      %get3A_423 = arith.constant 1 : i32
      %get3A_424 = arith.index_cast %get3A_423 : i32 to index
      %get3A_425 = arith.constant 112 : index
      %get3A_426 = tpu.vector_load %arg10[%get3A_424, %get3A_425] {strides = array<i32>} : memref<2x256xi32, #tpu.memory_space<vmem>>, vector<1x16xi32>,
      %get3A_427 = vector.shape_cast %get3A_426 : vector<1x16xi32> to vector<16xi32>
      %swap3A_428 = arith.constant 112 : index
      %swap3A_429 = tpu.vector_load %arg18[%swap3A_428] {strides = array<i32>} : memref<256xi32, #tpu.memory_space<vmem>>, vector<16xi32>,
      %swap3A_430 = vector.shape_cast %swap3A_429 : vector<16xi32> to vector<16xi32>
      %swap3A_431 = vector.shape_cast %get3A_427 : vector<16xi32> to vector<16xi32>
      tpu.vector_store %arg18[%swap3A_428], %swap3A_431 {strides = array<i32>} : memref<256xi32, #tpu.memory_space<vmem>>, vector<16xi32>,
      %get3A_432 = arith.constant 1 : i32
      %get3A_433 = arith.index_cast %get3A_432 : i32 to index
      %get3A_434 = arith.constant 128 : index
      %get3A_435 = tpu.vector_load %arg10[%get3A_433, %get3A_434] {strides = array<i32>} : memref<2x256xi32, #tpu.memory_space<vmem>>, vector<1x16xi32>,
      %get3A_436 = vector.shape_cast %get3A_435 : vector<1x16xi32> to vector<16xi32>
      %swap3A_437 = arith.constant 128 : index
      %swap3A_438 = tpu.vector_load %arg18[%swap3A_437] {strides = array<i32>} : memref<256xi32, #tpu.memory_space<vmem>>, vector<16xi32>,
      %swap3A_439 = vector.shape_cast %swap3A_438 : vector<16xi32> to vector<16xi32>
      %swap3A_440 = vector.shape_cast %get3A_436 : vector<16xi32> to vector<16xi32>
      tpu.vector_store %arg18[%swap3A_437], %swap3A_440 {strides = array<i32>} : memref<256xi32, #tpu.memory_space<vmem>>, vector<16xi32>,
      %get3A_441 = arith.constant 1 : i32
      %get3A_442 = arith.index_cast %get3A_441 : i32 to index
      %get3A_443 = arith.constant 144 : index
      %get3A_444 = tpu.vector_load %arg10[%get3A_442, %get3A_443] {strides = array<i32>} : memref<2x256xi32, #tpu.memory_space<vmem>>, vector<1x16xi32>,
      %get3A_445 = vector.shape_cast %get3A_444 : vector<1x16xi32> to vector<16xi32>
      %swap3A_446 = arith.constant 144 : index
      %swap3A_447 = tpu.vector_load %arg18[%swap3A_446] {strides = array<i32>} : memref<256xi32, #tpu.memory_space<vmem>>, vector<16xi32>,
      %swap3A_448 = vector.shape_cast %swap3A_447 : vector<16xi32> to vector<16xi32>
      %swap3A_449 = vector.shape_cast %get3A_445 : vector<16xi32> to vector<16xi32>
      tpu.vector_store %arg18[%swap3A_446], %swap3A_449 {strides = array<i32>} : memref<256xi32, #tpu.memory_space<vmem>>, vector<16xi32>,
      %get3A_450 = arith.constant 1 : i32
      %get3A_451 = arith.index_cast %get3A_450 : i32 to index
      %get3A_452 = arith.constant 160 : index
      %get3A_453 = tpu.vector_load %arg10[%get3A_451, %get3A_452] {strides = array<i32>} : memref<2x256xi32, #tpu.memory_space<vmem>>, vector<1x16xi32>,
      %get3A_454 = vector.shape_cast %get3A_453 : vector<1x16xi32> to vector<16xi32>
      %swap3A_455 = arith.constant 160 : index
      %swap3A_456 = tpu.vector_load %arg18[%swap3A_455] {strides = array<i32>} : memref<256xi32, #tpu.memory_space<vmem>>, vector<16xi32>,
      %swap3A_457 = vector.shape_cast %swap3A_456 : vector<16xi32> to vector<16xi32>
      %swap3A_458 = vector.shape_cast %get3A_454 : vector<16xi32> to vector<16xi32>
      tpu.vector_store %arg18[%swap3A_455], %swap3A_458 {strides = array<i32>} : memref<256xi32, #tpu.memory_space<vmem>>, vector<16xi32>,
      %get3A_459 = arith.constant 1 : i32
      %get3A_460 = arith.index_cast %get3A_459 : i32 to index
      %get3A_461 = arith.constant 176 : index
      %get3A_462 = tpu.vector_load %arg10[%get3A_460, %get3A_461] {strides = array<i32>} : memref<2x256xi32, #tpu.memory_space<vmem>>, vector<1x16xi32>,
      %get3A_463 = vector.shape_cast %get3A_462 : vector<1x16xi32> to vector<16xi32>
      %swap3A_464 = arith.constant 176 : index
      %swap3A_465 = tpu.vector_load %arg18[%swap3A_464] {strides = array<i32>} : memref<256xi32, #tpu.memory_space<vmem>>, vector<16xi32>,
      %swap3A_466 = vector.shape_cast %swap3A_465 : vector<16xi32> to vector<16xi32>
      %swap3A_467 = vector.shape_cast %get3A_463 : vector<16xi32> to vector<16xi32>
      tpu.vector_store %arg18[%swap3A_464], %swap3A_467 {strides = array<i32>} : memref<256xi32, #tpu.memory_space<vmem>>, vector<16xi32>,
      %get3A_468 = arith.constant 1 : i32
      %get3A_469 = arith.index_cast %get3A_468 : i32 to index
      %get3A_470 = arith.constant 192 : index
      %get3A_471 = tpu.vector_load %arg10[%get3A_469, %get3A_470] {strides = array<i32>} : memref<2x256xi32, #tpu.memory_space<vmem>>, vector<1x16xi32>,
      %get3A_472 = vector.shape_cast %get3A_471 : vector<1x16xi32> to vector<16xi32>
      %swap3A_473 = arith.constant 192 : index
      %swap3A_474 = tpu.vector_load %arg18[%swap3A_473] {strides = array<i32>} : memref<256xi32, #tpu.memory_space<vmem>>, vector<16xi32>,
      %swap3A_475 = vector.shape_cast %swap3A_474 : vector<16xi32> to vector<16xi32>
      %swap3A_476 = vector.shape_cast %get3A_472 : vector<16xi32> to vector<16xi32>
      tpu.vector_store %arg18[%swap3A_473], %swap3A_476 {strides = array<i32>} : memref<256xi32, #tpu.memory_space<vmem>>, vector<16xi32>,
      %get3A_477 = arith.constant 1 : i32
      %get3A_478 = arith.index_cast %get3A_477 : i32 to index
      %get3A_479 = arith.constant 208 : index
      %get3A_480 = tpu.vector_load %arg10[%get3A_478, %get3A_479] {strides = array<i32>} : memref<2x256xi32, #tpu.memory_space<vmem>>, vector<1x16xi32>,
      %get3A_481 = vector.shape_cast %get3A_480 : vector<1x16xi32> to vector<16xi32>
      %swap3A_482 = arith.constant 208 : index
      %swap3A_483 = tpu.vector_load %arg18[%swap3A_482] {strides = array<i32>} : memref<256xi32, #tpu.memory_space<vmem>>, vector<16xi32>,
      %swap3A_484 = vector.shape_cast %swap3A_483 : vector<16xi32> to vector<16xi32>
      %swap3A_485 = vector.shape_cast %get3A_481 : vector<16xi32> to vector<16xi32>
      tpu.vector_store %arg18[%swap3A_482], %swap3A_485 {strides = array<i32>} : memref<256xi32, #tpu.memory_space<vmem>>, vector<16xi32>,
      %get3A_486 = arith.constant 1 : i32
      %get3A_487 = arith.index_cast %get3A_486 : i32 to index
      %get3A_488 = arith.constant 224 : index
      %get3A_489 = tpu.vector_load %arg10[%get3A_487, %get3A_488] {strides = array<i32>} : memref<2x256xi32, #tpu.memory_space<vmem>>, vector<1x16xi32>,
      %get3A_490 = vector.shape_cast %get3A_489 : vector<1x16xi32> to vector<16xi32>
      %swap3A_491 = arith.constant 224 : index
      %swap3A_492 = tpu.vector_load %arg18[%swap3A_491] {strides = array<i32>} : memref<256xi32, #tpu.memory_space<vmem>>, vector<16xi32>,
      %swap3A_493 = vector.shape_cast %swap3A_492 : vector<16xi32> to vector<16xi32>
      %swap3A_494 = vector.shape_cast %get3A_490 : vector<16xi32> to vector<16xi32>
      tpu.vector_store %arg18[%swap3A_491], %swap3A_494 {strides = array<i32>} : memref<256xi32, #tpu.memory_space<vmem>>, vector<16xi32>,
      %get3A_495 = arith.constant 1 : i32
      %get3A_496 = arith.index_cast %get3A_495 : i32 to index
      %get3A_497 = arith.constant 240 : index
      %get3A_498 = tpu.vector_load %arg10[%get3A_496, %get3A_497] {strides = array<i32>} : memref<2x256xi32, #tpu.memory_space<vmem>>, vector<1x16xi32>,
      %get3A_499 = vector.shape_cast %get3A_498 : vector<1x16xi32> to vector<16xi32>
      %swap3A_500 = arith.constant 240 : index
      %swap3A_501 = tpu.vector_load %arg18[%swap3A_500] {strides = array<i32>} : memref<256xi32, #tpu.memory_space<vmem>>, vector<16xi32>,
      %swap3A_502 = vector.shape_cast %swap3A_501 : vector<16xi32> to vector<16xi32>
      %swap3A_503 = vector.shape_cast %get3A_499 : vector<16xi32> to vector<16xi32>
      tpu.vector_store %arg18[%swap3A_500], %swap3A_503 {strides = array<i32>} : memref<256xi32, #tpu.memory_space<vmem>>, vector<16xi32>,
      %add3A_504 = arith.constant 2 : i32
      %add3A_505 = arith.addi %add3A_347, %add3A_504 : i32
      %lt3A_506 = arith.constant 98 : i32
      %lt3A_507 = arith.cmpi slt, %add3A_505, %lt3A_506 : i32
      %convert_element_type3A_508 = arith.extui %lt3A_507 : i1 to i32
      %cond3A_509 = arith.constant 0 : i32
      %cond3A_510 = arith.cmpi ne, %convert_element_type3A_508, %cond3A_509 : i32
      scf.if %cond3A_510 {
        %add3A_521 = arith.constant 2 : i32
        %add3A_522 = arith.addi %add3A_347, %add3A_521 : i32
        %mul3A_523 = arith.constant 401408 : i32
        %mul3A_524 = arith.muli %arg0, %mul3A_523 : i32
        %mul3A_525 = arith.constant 16 : i32
        %mul3A_526 = arith.muli %add3A_522, %mul3A_525 : i32
        %add3A_527 = arith.addi %mul3A_526, %arg1 : i32
        %mul3A_528 = arith.constant 256 : i32
        %mul3A_529 = arith.muli %add3A_527, %mul3A_528 : i32
        %add3A_530 = arith.addi %mul3A_524, %mul3A_529 : i32
        %dma_start3A_531 = arith.constant 0 : i32
        %dma_start3A_532 = arith.constant 0 : i32
        %dma_start3A_533 = tpu.memref_slice %arg10[%dma_start3A_531, %dma_start3A_532] : memref<2x256xi32, #tpu.memory_space<vmem>> -> memref<1x256xi32, #tpu.memory_space<vmem>>
        %dma_start3A_534 = tpu.memref_squeeze %dma_start3A_533 : memref<1x256xi32, #tpu.memory_space<vmem>> -> memref<256xi32, #tpu.memory_space<vmem>>
        %dma_start3A_535 = tpu.memref_slice %arg2[%add3A_530] : memref<802816xi32, #tpu.memory_space<hbm>> -> memref<256xi32, #tpu.memory_space<hbm>>
        %dma_start3A_536 = arith.constant 0 : i32
        %dma_start3A_537 = tpu.memref_slice %arg10[%dma_start3A_531, %dma_start3A_536] : memref<2x256xi32, #tpu.memory_space<vmem>> -> memref<1x256xi32, #tpu.memory_space<vmem>>
        %dma_start3A_538 = tpu.memref_squeeze %dma_start3A_537 : memref<1x256xi32, #tpu.memory_space<vmem>> -> memref<256xi32, #tpu.memory_space<vmem>>
        %dma_start3A_539 = tpu.memref_slice %arg2[%add3A_530] : memref<802816xi32, #tpu.memory_space<hbm>> -> memref<256xi32, #tpu.memory_space<hbm>>
        tpu.enqueue_dma source(%dma_start3A_539 : memref<256xi32, #tpu.memory_space<hbm>>) target(%dma_start3A_538 : memref<256xi32, #tpu.memory_space<vmem>>) target_semaphore(%arg25 : memref<!tpu.dma_semaphore, #tpu.memory_space<semaphore_mem>>)
        %mul3A_540 = arith.constant 401408 : i32
        %mul3A_541 = arith.muli %arg0, %mul3A_540 : i32
        %mul3A_542 = arith.constant 16 : i32
        %mul3A_543 = arith.muli %add3A_522, %mul3A_542 : i32
        %add3A_544 = arith.addi %mul3A_543, %arg1 : i32
        %mul3A_545 = arith.constant 256 : i32
        %mul3A_546 = arith.muli %add3A_544, %mul3A_545 : i32
        %add3A_547 = arith.addi %mul3A_541, %mul3A_546 : i32
        %dma_start3A_548 = arith.constant 1 : i32
        %dma_start3A_549 = arith.constant 0 : i32
        %dma_start3A_550 = tpu.memref_slice %arg10[%dma_start3A_548, %dma_start3A_549] : memref<2x256xi32, #tpu.memory_space<vmem>> -> memref<1x256xi32, #tpu.memory_space<vmem>>
        %dma_start3A_551 = tpu.memref_squeeze %dma_start3A_550 : memref<1x256xi32, #tpu.memory_space<vmem>> -> memref<256xi32, #tpu.memory_space<vmem>>
        %dma_start3A_552 = tpu.memref_slice %arg3[%add3A_547] : memref<802816xi32, #tpu.memory_space<hbm>> -> memref<256xi32, #tpu.memory_space<hbm>>
        %dma_start3A_553 = arith.constant 0 : i32
        %dma_start3A_554 = tpu.memref_slice %arg10[%dma_start3A_548, %dma_start3A_553] : memref<2x256xi32, #tpu.memory_space<vmem>> -> memref<1x256xi32, #tpu.memory_space<vmem>>
        %dma_start3A_555 = tpu.memref_squeeze %dma_start3A_554 : memref<1x256xi32, #tpu.memory_space<vmem>> -> memref<256xi32, #tpu.memory_space<vmem>>
        %dma_start3A_556 = tpu.memref_slice %arg3[%add3A_547] : memref<802816xi32, #tpu.memory_space<hbm>> -> memref<256xi32, #tpu.memory_space<hbm>>
        tpu.enqueue_dma source(%dma_start3A_556 : memref<256xi32, #tpu.memory_space<hbm>>) target(%dma_start3A_555 : memref<256xi32, #tpu.memory_space<vmem>>) target_semaphore(%arg25 : memref<!tpu.dma_semaphore, #tpu.memory_space<semaphore_mem>>)
      } else {
      }
      %parallel_loop3A_511 = arith.constant 0 : i32
      %parallel_loop3A_512 = arith.constant 256 : i32
      %parallel_loop3A_513 = arith.constant 1 : i32
      scf.for %parallel_loop3A_521 = %parallel_loop3A_511 to %parallel_loop3A_512 step %parallel_loop3A_513  : i32 {
        %parallel_loop3A_522 = arith.index_cast %parallel_loop3A_521 : i32 to index
        %parallel_loop3A_523 = arith.constant 0 : index
        %parallel_loop3A_524 = tpu.vector_load %arg12[%parallel_loop3A_522, %parallel_loop3A_523] {strides = array<i32>} : memref<256x16xf32, #tpu.memory_space<vmem>>, vector<1x16xf32>,
        %parallel_loop3A_525 = vector.shape_cast %parallel_loop3A_524 : vector<1x16xf32> to vector<16xf32>
        %parallel_loop3A_526 = arith.index_cast %parallel_loop3A_521 : i32 to index
        %parallel_loop3A_527 = arith.constant 0 : index
        %parallel_loop3A_528 = tpu.vector_load %arg14[%parallel_loop3A_526, %parallel_loop3A_527] {strides = array<i32>} : memref<256x16xf32, #tpu.memory_space<vmem>>, vector<1x16xf32>,
        %parallel_loop3A_529 = vector.shape_cast %parallel_loop3A_528 : vector<1x16xf32> to vector<16xf32>
        %parallel_loop3A_530 = arith.addf %parallel_loop3A_525, %parallel_loop3A_529 : vector<16xf32>
        %parallel_loop3A_531 = arith.constant 2.000000e-01 : f32
        %parallel_loop3A_532 = vector.broadcast %parallel_loop3A_531 : f32 to vector<16xf32>
        %parallel_loop3A_533 = arith.mulf %parallel_loop3A_530, %parallel_loop3A_532 : vector<16xf32>
        %parallel_loop3A_534 = arith.maximumf %parallel_loop3A_530, %parallel_loop3A_533 : vector<16xf32>
        %parallel_loop3A_535 = arith.subf %parallel_loop3A_534, %max3A_94 : vector<16xf32>
        %parallel_loop3A_536 = math.exp %parallel_loop3A_535 : vector<16xf32>
        %parallel_loop3A_537 = arith.index_cast %parallel_loop3A_521 : i32 to index
        %parallel_loop3A_538 = arith.constant 0 : index
        %parallel_loop3A_539 = tpu.vector_load %arg12[%parallel_loop3A_537, %parallel_loop3A_538] {strides = array<i32>} : memref<256x16xf32, #tpu.memory_space<vmem>>, vector<1x16xf32>,
        %parallel_loop3A_540 = vector.shape_cast %parallel_loop3A_539 : vector<1x16xf32> to vector<16xf32>
        %parallel_loop3A_541 = vector.shape_cast %parallel_loop3A_536 : vector<16xf32> to vector<1x16xf32>
        tpu.vector_store %arg12[%parallel_loop3A_537, %parallel_loop3A_538], %parallel_loop3A_541 {strides = array<i32>} : memref<256x16xf32, #tpu.memory_space<vmem>>, vector<1x16xf32>,
        %parallel_loop3A_542 = arith.index_cast %parallel_loop3A_521 : i32 to index
        %parallel_loop3A_543 = arith.constant 0 : index
        %parallel_loop3A_544 = tpu.vector_load %arg16[%parallel_loop3A_542, %parallel_loop3A_543] {strides = array<i32>} : memref<256x16xf32, #tpu.memory_space<vmem>>, vector<1x16xf32>,
        %parallel_loop3A_545 = vector.shape_cast %parallel_loop3A_544 : vector<1x16xf32> to vector<16xf32>
        %parallel_loop3A_546 = arith.mulf %parallel_loop3A_536, %parallel_loop3A_545 : vector<16xf32>
        %parallel_loop3A_547 = arith.index_cast %parallel_loop3A_521 : i32 to index
        %parallel_loop3A_548 = arith.constant 0 : index
        %parallel_loop3A_549 = tpu.vector_load %arg16[%parallel_loop3A_547, %parallel_loop3A_548] {strides = array<i32>} : memref<256x16xf32, #tpu.memory_space<vmem>>, vector<1x16xf32>,
        %parallel_loop3A_550 = vector.shape_cast %parallel_loop3A_549 : vector<1x16xf32> to vector<16xf32>
        %parallel_loop3A_551 = vector.shape_cast %parallel_loop3A_546 : vector<16xf32> to vector<1x16xf32>
        tpu.vector_store %arg16[%parallel_loop3A_547, %parallel_loop3A_548], %parallel_loop3A_551 {strides = array<i32>} : memref<256x16xf32, #tpu.memory_space<vmem>>, vector<1x16xf32>,
      } {sc.loop_unroll_factor = 8 : i64, sc.parallel_access}
      %dma_start3A_514 = arith.constant 0 : i32
      %dma_start3A_515 = arith.constant 0 : i32
      %dma_start3A_516 = tpu.memref_slice %arg23[%dma_start3A_514, %dma_start3A_515] : memref<50048x16xf32, #tpu.memory_space<vmem_shared>> -> memref<50048x16xf32, #tpu.memory_space<vmem_shared>>
      tpu.enqueue_indirect_dma source(%arg12 : memref<256x16xf32, #tpu.memory_space<vmem>>) target(%dma_start3A_516 : memref<50048x16xf32, #tpu.memory_space<vmem_shared>>) offsets(%arg18 : memref<256xi32, #tpu.memory_space<vmem>>) semaphore(%arg29 : memref<!tpu.dma_semaphore, #tpu.memory_space<semaphore_mem>>) {add = true}
      %dma_start3A_517 = arith.constant 0 : i32
      %dma_start3A_518 = arith.constant 0 : i32
      %dma_start3A_519 = tpu.memref_slice %arg22[%dma_start3A_517, %dma_start3A_518] : memref<50048x16xf32, #tpu.memory_space<vmem_shared>> -> memref<50048x16xf32, #tpu.memory_space<vmem_shared>>
      tpu.enqueue_indirect_dma source(%arg16 : memref<256x16xf32, #tpu.memory_space<vmem>>) target(%dma_start3A_519 : memref<50048x16xf32, #tpu.memory_space<vmem_shared>>) offsets(%arg18 : memref<256xi32, #tpu.memory_space<vmem>>) semaphore(%arg29 : memref<!tpu.dma_semaphore, #tpu.memory_space<semaphore_mem>>) {add = true}
      %scan3A_520 = arith.constant 0 : i32
      scf.yield %scan3A_520 : i32
    }
    %scan3A_157 = arith.constant 49 : i32
    %dma_wait3A = arith.constant 0 : i32
    %dma_wait3A_158 = arith.constant 0 : i32
    %dma_wait3A_159 = tpu.memref_slice %arg23[%dma_wait3A, %dma_wait3A_158] : memref<50048x16xf32, #tpu.memory_space<vmem_shared>> -> memref<50048x16xf32, #tpu.memory_space<vmem_shared>>
    tpu.wait_indirect_dma semaphore(%arg29 : memref<!tpu.dma_semaphore, #tpu.memory_space<semaphore_mem>>) src(%arg12 : memref<256x16xf32, #tpu.memory_space<vmem>>) dst(%dma_wait3A_159 : memref<50048x16xf32, #tpu.memory_space<vmem_shared>>)
    %dma_wait3A_160 = arith.constant 0 : i32
    %dma_wait3A_161 = arith.constant 0 : i32
    %dma_wait3A_162 = tpu.memref_slice %arg22[%dma_wait3A_160, %dma_wait3A_161] : memref<50048x16xf32, #tpu.memory_space<vmem_shared>> -> memref<50048x16xf32, #tpu.memory_space<vmem_shared>>
    tpu.wait_indirect_dma semaphore(%arg29 : memref<!tpu.dma_semaphore, #tpu.memory_space<semaphore_mem>>) src(%arg16 : memref<256x16xf32, #tpu.memory_space<vmem>>) dst(%dma_wait3A_162 : memref<50048x16xf32, #tpu.memory_space<vmem_shared>>)
    %barrier3A_163 = arith.constant 0 : index
    tpu.barrier barrier_id(%barrier3A_163)
    %scan3A_164 = arith.constant 0 : i32
    %scan3A_165 = arith.constant 0 : i32
    %scan3A_166 = arith.constant 23 : i32
    %scan3A_167 = arith.addi %scan3A_165, %scan3A_166 : i32
    %scan3A_168 = arith.constant 1 : i32
    %scan3A_169 = scf.for %scan3A_171 = %scan3A_165 to %scan3A_167 step %scan3A_168 iter_args(%scan3A_172 = %scan3A_164) -> (i32)  : i32 {
      %mul3A_173 = arith.constant 136 : i32
      %mul3A_174 = arith.muli %scan3A_171, %mul3A_173 : i32
      %add3A_175 = arith.addi %mul3A_98, %mul3A_174 : i32
      "tpu.region"() ({
        %run_scoped3A_183 = tpu.sem_alloc : memref<!tpu.dma_semaphore, #tpu.memory_space<semaphore_mem>>
        %dma_start3A_184 = arith.constant 0 : i32
        %dma_start3A_185 = tpu.memref_slice %arg22[%add3A_175, %dma_start3A_184] : memref<50048x16xf32, #tpu.memory_space<vmem_shared>> -> memref<136x16xf32, #tpu.memory_space<vmem_shared>>
        %dma_start3A_186 = arith.constant 0 : i32
        %dma_start3A_187 = tpu.memref_slice %arg22[%add3A_175, %dma_start3A_186] : memref<50048x16xf32, #tpu.memory_space<vmem_shared>> -> memref<136x16xf32, #tpu.memory_space<vmem_shared>>
        tpu.enqueue_dma source(%dma_start3A_187 : memref<136x16xf32, #tpu.memory_space<vmem_shared>>) target(%arg20 : memref<136x16xf32, #tpu.memory_space<vmem>>) target_semaphore(%run_scoped3A_183 : memref<!tpu.dma_semaphore, #tpu.memory_space<semaphore_mem>>)
        %dma_wait3A_188 = arith.constant 0 : i32
        %dma_wait3A_189 = tpu.memref_slice %arg22[%add3A_175, %dma_wait3A_188] : memref<50048x16xf32, #tpu.memory_space<vmem_shared>> -> memref<136x16xf32, #tpu.memory_space<vmem_shared>>
        %dma_wait3A_190 = arith.constant 0 : i32
        %dma_wait3A_191 = tpu.memref_slice %arg22[%add3A_175, %dma_wait3A_190] : memref<50048x16xf32, #tpu.memory_space<vmem_shared>> -> memref<136x16xf32, #tpu.memory_space<vmem_shared>>
        tpu.wait_dma2 semaphore(%run_scoped3A_183 : memref<!tpu.dma_semaphore, #tpu.memory_space<semaphore_mem>>) src(%dma_wait3A_191 : memref<136x16xf32, #tpu.memory_space<vmem_shared>>) dst(%arg20 : memref<136x16xf32, #tpu.memory_space<vmem>>)
        tpu.yield
      }) : () -> ()
      "tpu.region"() ({
        %run_scoped3A_183 = tpu.sem_alloc : memref<!tpu.dma_semaphore, #tpu.memory_space<semaphore_mem>>
        %dma_start3A_184 = arith.constant 0 : i32
        %dma_start3A_185 = tpu.memref_slice %arg23[%add3A_175, %dma_start3A_184] : memref<50048x16xf32, #tpu.memory_space<vmem_shared>> -> memref<136x16xf32, #tpu.memory_space<vmem_shared>>
        %dma_start3A_186 = arith.constant 0 : i32
        %dma_start3A_187 = tpu.memref_slice %arg23[%add3A_175, %dma_start3A_186] : memref<50048x16xf32, #tpu.memory_space<vmem_shared>> -> memref<136x16xf32, #tpu.memory_space<vmem_shared>>
        tpu.enqueue_dma source(%dma_start3A_187 : memref<136x16xf32, #tpu.memory_space<vmem_shared>>) target(%arg21 : memref<136x16xf32, #tpu.memory_space<vmem>>) target_semaphore(%run_scoped3A_183 : memref<!tpu.dma_semaphore, #tpu.memory_space<semaphore_mem>>)
        %dma_wait3A_188 = arith.constant 0 : i32
        %dma_wait3A_189 = tpu.memref_slice %arg23[%add3A_175, %dma_wait3A_188] : memref<50048x16xf32, #tpu.memory_space<vmem_shared>> -> memref<136x16xf32, #tpu.memory_space<vmem_shared>>
        %dma_wait3A_190 = arith.constant 0 : i32
        %dma_wait3A_191 = tpu.memref_slice %arg23[%add3A_175, %dma_wait3A_190] : memref<50048x16xf32, #tpu.memory_space<vmem_shared>> -> memref<136x16xf32, #tpu.memory_space<vmem_shared>>
        tpu.wait_dma2 semaphore(%run_scoped3A_183 : memref<!tpu.dma_semaphore, #tpu.memory_space<semaphore_mem>>) src(%dma_wait3A_191 : memref<136x16xf32, #tpu.memory_space<vmem_shared>>) dst(%arg21 : memref<136x16xf32, #tpu.memory_space<vmem>>)
        tpu.yield
      }) : () -> ()
      %parallel_loop3A_176 = arith.constant 0 : i32
      %parallel_loop3A_177 = arith.constant 136 : i32
      %parallel_loop3A_178 = arith.constant 1 : i32
      scf.for %parallel_loop3A_183 = %parallel_loop3A_176 to %parallel_loop3A_177 step %parallel_loop3A_178  : i32 {
        %parallel_loop3A_184 = arith.index_cast %parallel_loop3A_183 : i32 to index
        %parallel_loop3A_185 = arith.constant 0 : index
        %parallel_loop3A_186 = tpu.vector_load %arg20[%parallel_loop3A_184, %parallel_loop3A_185] {strides = array<i32>} : memref<136x16xf32, #tpu.memory_space<vmem>>, vector<1x16xf32>,
        %parallel_loop3A_187 = vector.shape_cast %parallel_loop3A_186 : vector<1x16xf32> to vector<16xf32>
        %parallel_loop3A_188 = arith.index_cast %parallel_loop3A_183 : i32 to index
        %parallel_loop3A_189 = arith.constant 0 : index
        %parallel_loop3A_190 = tpu.vector_load %arg21[%parallel_loop3A_188, %parallel_loop3A_189] {strides = array<i32>} : memref<136x16xf32, #tpu.memory_space<vmem>>, vector<1x16xf32>,
        %parallel_loop3A_191 = vector.shape_cast %parallel_loop3A_190 : vector<1x16xf32> to vector<16xf32>
        %parallel_loop3A_192 = arith.constant 1.000000e-16 : f32
        %parallel_loop3A_193 = vector.broadcast %parallel_loop3A_192 : f32 to vector<16xf32>
        %parallel_loop3A_194 = arith.addf %parallel_loop3A_191, %parallel_loop3A_193 : vector<16xf32>
        %parallel_loop3A_195 = arith.divf %parallel_loop3A_187, %parallel_loop3A_194 : vector<16xf32>
        %parallel_loop3A_196 = arith.constant 0.000000e+00 : f32
        %parallel_loop3A_197 = vector.broadcast %parallel_loop3A_196 : f32 to vector<16xf32>
        %parallel_loop3A_198 = arith.maximumf %parallel_loop3A_195, %parallel_loop3A_197 : vector<16xf32>
        %parallel_loop3A_199 = arith.index_cast %parallel_loop3A_183 : i32 to index
        %parallel_loop3A_200 = arith.constant 0 : index
        %parallel_loop3A_201 = tpu.vector_load %arg20[%parallel_loop3A_199, %parallel_loop3A_200] {strides = array<i32>} : memref<136x16xf32, #tpu.memory_space<vmem>>, vector<1x16xf32>,
        %parallel_loop3A_202 = vector.shape_cast %parallel_loop3A_201 : vector<1x16xf32> to vector<16xf32>
        %parallel_loop3A_203 = vector.shape_cast %parallel_loop3A_198 : vector<16xf32> to vector<1x16xf32>
        tpu.vector_store %arg20[%parallel_loop3A_199, %parallel_loop3A_200], %parallel_loop3A_203 {strides = array<i32>} : memref<136x16xf32, #tpu.memory_space<vmem>>, vector<1x16xf32>,
      } {sc.loop_unroll_factor = 8 : i64, sc.parallel_access}
      %mul3A_179 = arith.constant 52000 : i32
      %mul3A_180 = arith.muli %arg0, %mul3A_179 : i32
      %add3A_181 = arith.addi %mul3A_180, %add3A_175 : i32
      "tpu.region"() ({
        %run_scoped3A_183 = tpu.sem_alloc : memref<!tpu.dma_semaphore, #tpu.memory_space<semaphore_mem>>
        %dma_start3A_184 = arith.constant 0 : i32
        %dma_start3A_185 = tpu.memref_slice %arg8[%add3A_181, %dma_start3A_184] : memref<104000x16xf32, #tpu.memory_space<hbm>> -> memref<136x16xf32, #tpu.memory_space<hbm>>
        %dma_start3A_186 = arith.constant 0 : i32
        %dma_start3A_187 = tpu.memref_slice %arg8[%add3A_181, %dma_start3A_186] : memref<104000x16xf32, #tpu.memory_space<hbm>> -> memref<136x16xf32, #tpu.memory_space<hbm>>
        tpu.enqueue_dma source(%arg20 : memref<136x16xf32, #tpu.memory_space<vmem>>) target(%dma_start3A_187 : memref<136x16xf32, #tpu.memory_space<hbm>>) target_semaphore(%run_scoped3A_183 : memref<!tpu.dma_semaphore, #tpu.memory_space<semaphore_mem>>)
        %dma_wait3A_188 = arith.constant 0 : i32
        %dma_wait3A_189 = tpu.memref_slice %arg8[%add3A_181, %dma_wait3A_188] : memref<104000x16xf32, #tpu.memory_space<hbm>> -> memref<136x16xf32, #tpu.memory_space<hbm>>
        %dma_wait3A_190 = arith.constant 0 : i32
        %dma_wait3A_191 = tpu.memref_slice %arg8[%add3A_181, %dma_wait3A_190] : memref<104000x16xf32, #tpu.memory_space<hbm>> -> memref<136x16xf32, #tpu.memory_space<hbm>>
        tpu.wait_dma2 semaphore(%run_scoped3A_183 : memref<!tpu.dma_semaphore, #tpu.memory_space<semaphore_mem>>) src(%arg20 : memref<136x16xf32, #tpu.memory_space<vmem>>) dst(%dma_wait3A_191 : memref<136x16xf32, #tpu.memory_space<hbm>>)
        tpu.yield
      }) : () -> ()
      %scan3A_182 = arith.constant 0 : i32
      scf.yield %scan3A_182 : i32
    }
    %scan3A_170 = arith.constant 23 : i32
    return
  }
}

module attributes {stable_mosaic.version = 14 : i64} {
  func.func @_proj_body(%arg0: i32, %arg1: memref<256x1024xf32, #tpu.memory_space<vmem>>, %arg2: memref<1024x128xbf16, #tpu.memory_space<vmem>>, %arg3: memref<1024x128xbf16, #tpu.memory_space<vmem>>, %arg4: memref<1x128xf32, #tpu.memory_space<vmem>>, %arg5: memref<1x128xf32, #tpu.memory_space<vmem>>, %arg6: memref<128x128xf32, #tpu.memory_space<vmem>>, %arg7: memref<256x128xf32, #tpu.memory_space<vmem>>, %arg8: memref<256x128xf32, #tpu.memory_space<vmem>>, %arg9: memref<256x128xf32, #tpu.memory_space<vmem>>, %arg10: memref<2x128xf32, #tpu.memory_space<vmem>>, %arg11: memref<8x128xf32, #tpu.memory_space<vmem>>) attributes {dimension_semantics = [#tpu.dimension_semantics<arbitrary>], iteration_bounds = array<i64: 25>, scalar_prefetch = 0 : i64, scratch_operands = 1 : i64, tpu.core_type = #tpu.core_type<tc>, window_params = [{transform_indices = @transform_0, window_bounds = array<i64: 256, 1024>}, {pipeline_mode = #tpu.pipeline_mode<synchronous>, transform_indices = @transform_1, window_bounds = array<i64: 1024, 128>}, {pipeline_mode = #tpu.pipeline_mode<synchronous>, transform_indices = @transform_2, window_bounds = array<i64: 1024, 128>}, {pipeline_mode = #tpu.pipeline_mode<synchronous>, transform_indices = @transform_3, window_bounds = array<i64: 1, 128>}, {pipeline_mode = #tpu.pipeline_mode<synchronous>, transform_indices = @transform_4, window_bounds = array<i64: 1, 128>}, {pipeline_mode = #tpu.pipeline_mode<synchronous>, transform_indices = @transform_5, window_bounds = array<i64: 128, 128>}, {transform_indices = @transform_6, window_bounds = array<i64: 256, 128>}, {transform_indices = @transform_7, window_bounds = array<i64: 256, 128>}, {transform_indices = @transform_8, window_bounds = array<i64: 256, 128>}, {pipeline_mode = #tpu.pipeline_mode<synchronous>, transform_indices = @transform_9, window_bounds = array<i64: 2, 128>}]} {
    %get3A = arith.constant 0 : index
    %get3A_0 = arith.constant 0 : index
    %get3A_1 = vector.load %arg1[%get3A, %get3A_0] : memref<256x1024xf32, #tpu.memory_space<vmem>>, vector<256x1024xf32>
    %convert_element_type3A = arith.truncf %get3A_1 : vector<256x1024xf32> to vector<256x1024xbf16>
    %convert_element_type3A_2 = arith.extf %convert_element_type3A : vector<256x1024xbf16> to vector<256x1024xf32>
    %sub3A = arith.subf %get3A_1, %convert_element_type3A_2 : vector<256x1024xf32>
    %convert_element_type3A_3 = arith.truncf %sub3A : vector<256x1024xf32> to vector<256x1024xbf16>
    %get3A_4 = arith.constant 0 : index
    %get3A_5 = arith.constant 0 : index
    %get3A_6 = vector.load %arg2[%get3A_4, %get3A_5] : memref<1024x128xbf16, #tpu.memory_space<vmem>>, vector<1024x128xbf16>
    %get3A_7 = arith.constant 0 : index
    %get3A_8 = arith.constant 0 : index
    %get3A_9 = vector.load %arg3[%get3A_7, %get3A_8] : memref<1024x128xbf16, #tpu.memory_space<vmem>>, vector<1024x128xbf16>
    %dot_general3A = arith.constant dense<0.000000e+00> : vector<256x128xf32>
    %dot_general3A_10 = tpu.matmul %convert_element_type3A, %get3A_6, %dot_general3A {dimension_numbers = #tpu.dot_dimension_numbers<[1], [0], [0], [1], [0, 0, 1, 1], [], []>, transpose_lhs_hint = false} : vector<256x1024xbf16>, vector<1024x128xbf16>, vector<256x128xf32> -> vector<256x128xf32>
    %dot_general3A_11 = arith.constant dense<0.000000e+00> : vector<256x128xf32>
    %dot_general3A_12 = tpu.matmul %convert_element_type3A, %get3A_9, %dot_general3A_11 {dimension_numbers = #tpu.dot_dimension_numbers<[1], [0], [0], [1], [0, 0, 1, 1], [], []>, transpose_lhs_hint = false} : vector<256x1024xbf16>, vector<1024x128xbf16>, vector<256x128xf32> -> vector<256x128xf32>
    %add3A = arith.addf %dot_general3A_10, %dot_general3A_12 : vector<256x128xf32>
    %dot_general3A_13 = arith.constant dense<0.000000e+00> : vector<256x128xf32>
    %dot_general3A_14 = tpu.matmul %convert_element_type3A_3, %get3A_6, %dot_general3A_13 {dimension_numbers = #tpu.dot_dimension_numbers<[1], [0], [0], [1], [0, 0, 1, 1], [], []>, transpose_lhs_hint = false} : vector<256x1024xbf16>, vector<1024x128xbf16>, vector<256x128xf32> -> vector<256x128xf32>
    %add3A_15 = arith.addf %add3A, %dot_general3A_14 : vector<256x128xf32>
    %swap3A = arith.constant 0 : index
    %swap3A_16 = arith.constant 0 : index
    %swap3A_17 = vector.load %arg7[%swap3A, %swap3A_16] : memref<256x128xf32, #tpu.memory_space<vmem>>, vector<256x128xf32>
    tpu.vector_store %arg7[%swap3A, %swap3A_16], %add3A_15 {strides = array<i32>} : memref<256x128xf32, #tpu.memory_space<vmem>>, vector<256x128xf32>,
    %get3A_18 = arith.constant 0 : index
    %get3A_19 = arith.constant 0 : index
    %get3A_20 = vector.load %arg6[%get3A_18, %get3A_19] : memref<128x128xf32, #tpu.memory_space<vmem>>, vector<128x128xf32>
    %get3A_21 = arith.constant 0 : index
    %get3A_22 = arith.constant 0 : index
    %get3A_23 = vector.load %arg4[%get3A_21, %get3A_22] : memref<1x128xf32, #tpu.memory_space<vmem>>, vector<1x128xf32>
    %mul3A = vector.broadcast %get3A_23 : vector<1x128xf32> to vector<256x128xf32>
    %mul3A_24 = arith.mulf %add3A_15, %mul3A : vector<256x128xf32>
    %convert_element_type3A_25 = arith.truncf %mul3A_24 : vector<256x128xf32> to vector<256x128xbf16>
    %convert_element_type3A_26 = arith.extf %convert_element_type3A_25 : vector<256x128xbf16> to vector<256x128xf32>
    %sub3A_27 = arith.subf %mul3A_24, %convert_element_type3A_26 : vector<256x128xf32>
    %convert_element_type3A_28 = arith.truncf %sub3A_27 : vector<256x128xf32> to vector<256x128xbf16>
    %get3A_29 = arith.constant 0 : index
    %get3A_30 = arith.constant 0 : index
    %get3A_31 = vector.load %arg5[%get3A_29, %get3A_30] : memref<1x128xf32, #tpu.memory_space<vmem>>, vector<1x128xf32>
    %mul3A_32 = vector.broadcast %get3A_31 : vector<1x128xf32> to vector<256x128xf32>
    %mul3A_33 = arith.mulf %add3A_15, %mul3A_32 : vector<256x128xf32>
    %convert_element_type3A_34 = arith.truncf %mul3A_33 : vector<256x128xf32> to vector<256x128xbf16>
    %convert_element_type3A_35 = arith.extf %convert_element_type3A_34 : vector<256x128xbf16> to vector<256x128xf32>
    %sub3A_36 = arith.subf %mul3A_33, %convert_element_type3A_35 : vector<256x128xf32>
    %convert_element_type3A_37 = arith.truncf %sub3A_36 : vector<256x128xf32> to vector<256x128xbf16>
    %dot_general3A_38 = arith.constant dense<0.000000e+00> : vector<256x128xf32>
    %dot_general3A_39 = tpu.matmul %convert_element_type3A_25, %get3A_20, %dot_general3A_38 {dimension_numbers = #tpu.dot_dimension_numbers<[1], [0], [0], [1], [0, 0, 1, 1], [], []>, transpose_lhs_hint = false} : vector<256x128xbf16>, vector<128x128xf32>, vector<256x128xf32> -> vector<256x128xf32>
    %dot_general3A_40 = arith.constant dense<0.000000e+00> : vector<256x128xf32>
    %dot_general3A_41 = tpu.matmul %convert_element_type3A_28, %get3A_20, %dot_general3A_40 {dimension_numbers = #tpu.dot_dimension_numbers<[1], [0], [0], [1], [0, 0, 1, 1], [], []>, transpose_lhs_hint = false} : vector<256x128xbf16>, vector<128x128xf32>, vector<256x128xf32> -> vector<256x128xf32>
    %add3A_42 = arith.addf %dot_general3A_39, %dot_general3A_41 : vector<256x128xf32>
    %dot_general3A_43 = arith.constant dense<0.000000e+00> : vector<256x128xf32>
    %dot_general3A_44 = tpu.matmul %convert_element_type3A_34, %get3A_20, %dot_general3A_43 {dimension_numbers = #tpu.dot_dimension_numbers<[1], [0], [0], [1], [0, 0, 1, 1], [], []>, transpose_lhs_hint = false} : vector<256x128xbf16>, vector<128x128xf32>, vector<256x128xf32> -> vector<256x128xf32>
    %dot_general3A_45 = arith.constant dense<0.000000e+00> : vector<256x128xf32>
    %dot_general3A_46 = tpu.matmul %convert_element_type3A_37, %get3A_20, %dot_general3A_45 {dimension_numbers = #tpu.dot_dimension_numbers<[1], [0], [0], [1], [0, 0, 1, 1], [], []>, transpose_lhs_hint = false} : vector<256x128xbf16>, vector<128x128xf32>, vector<256x128xf32> -> vector<256x128xf32>
    %add3A_47 = arith.addf %dot_general3A_44, %dot_general3A_46 : vector<256x128xf32>
    %swap3A_48 = arith.constant 0 : index
    %swap3A_49 = arith.constant 0 : index
    %swap3A_50 = vector.load %arg8[%swap3A_48, %swap3A_49] : memref<256x128xf32, #tpu.memory_space<vmem>>, vector<256x128xf32>
    tpu.vector_store %arg8[%swap3A_48, %swap3A_49], %add3A_42 {strides = array<i32>} : memref<256x128xf32, #tpu.memory_space<vmem>>, vector<256x128xf32>,
    %swap3A_51 = arith.constant 0 : index
    %swap3A_52 = arith.constant 0 : index
    %swap3A_53 = vector.load %arg9[%swap3A_51, %swap3A_52] : memref<256x128xf32, #tpu.memory_space<vmem>>, vector<256x128xf32>
    tpu.vector_store %arg9[%swap3A_51, %swap3A_52], %add3A_47 {strides = array<i32>} : memref<256x128xf32, #tpu.memory_space<vmem>>, vector<256x128xf32>,
    %eq3A = arith.constant 0 : i32
    %eq3A_54 = arith.cmpi eq, %arg0, %eq3A : i32
    %convert_element_type3A_55 = arith.extui %eq3A_54 : i1 to i32
    %cond3A = arith.constant 0 : i32
    %cond3A_56 = arith.cmpi ne, %convert_element_type3A_55, %cond3A : i32
    scf.if %cond3A_56 {
      %broadcast_in_dim3A_88 = arith.constant -1.000000e+30 : f32
      %broadcast_in_dim3A_89 = vector.broadcast %broadcast_in_dim3A_88 : f32 to vector<8x128xf32>
      %swap3A_90 = arith.constant 0 : index
      %swap3A_91 = arith.constant 0 : index
      %swap3A_92 = vector.load %arg11[%swap3A_90, %swap3A_91] : memref<8x128xf32, #tpu.memory_space<vmem>>, vector<8x128xf32>
      tpu.vector_store %arg11[%swap3A_90, %swap3A_91], %broadcast_in_dim3A_89 {strides = array<i32>} : memref<8x128xf32, #tpu.memory_space<vmem>>, vector<8x128xf32>,
    } else {
    }
    %iota3A = tpu.iota {dimensions = array<i32: 0>} : vector<256x128xi32>
    %mul3A_57 = arith.constant 256 : i32
    %mul3A_58 = arith.muli %arg0, %mul3A_57 : i32
    %sub3A_59 = arith.constant 6250 : i32
    %sub3A_60 = arith.subi %sub3A_59, %mul3A_58 : i32
    %lt3A = vector.broadcast %sub3A_60 : i32 to vector<256x128xi32>
    %lt3A_61 = arith.cmpi slt, %iota3A, %lt3A : vector<256x128xi32>
    %jit3A = arith.constant -1.000000e+30 : f32
    %broadcast_in_dim3A = vector.broadcast %jit3A : f32 to vector<256x128xf32>
    %select_n3A = arith.select %lt3A_61, %add3A_42, %broadcast_in_dim3A : vector<256x128xi1>, vector<256x128xf32>
    %reduce_max3A = arith.constant dense<0xFF800000> : vector<128xf32>
    %reduce_max3A_62 = vector.multi_reduction <maximumf>, %select_n3A, %reduce_max3A [0] : vector<256x128xf32> to vector<128xf32>
    %broadcast_in_dim3A_63 = vector.shape_cast %reduce_max3A_62 : vector<128xf32> to vector<1x128xf32>
    %jit3A_64 = arith.constant -1.000000e+30 : f32
    %broadcast_in_dim3A_65 = vector.broadcast %jit3A_64 : f32 to vector<256x128xf32>
    %select_n3A_66 = arith.select %lt3A_61, %add3A_47, %broadcast_in_dim3A_65 : vector<256x128xi1>, vector<256x128xf32>
    %reduce_max3A_67 = arith.constant dense<0xFF800000> : vector<128xf32>
    %reduce_max3A_68 = vector.multi_reduction <maximumf>, %select_n3A_66, %reduce_max3A_67 [0] : vector<256x128xf32> to vector<128xf32>
    %broadcast_in_dim3A_69 = vector.shape_cast %reduce_max3A_68 : vector<128xf32> to vector<1x128xf32>
    %get3A_70 = arith.constant 0 : index
    %get3A_71 = arith.constant 0 : index
    %get3A_72 = vector.load %arg11[%get3A_70, %get3A_71] : memref<8x128xf32, #tpu.memory_space<vmem>>, vector<1x128xf32>
    %max3A = arith.maximumf %get3A_72, %broadcast_in_dim3A_63 : vector<1x128xf32>
    %swap3A_73 = arith.constant 0 : index
    %swap3A_74 = arith.constant 0 : index
    %swap3A_75 = vector.load %arg11[%swap3A_73, %swap3A_74] : memref<8x128xf32, #tpu.memory_space<vmem>>, vector<1x128xf32>
    tpu.vector_store %arg11[%swap3A_73, %swap3A_74], %max3A {strides = array<i32>} : memref<8x128xf32, #tpu.memory_space<vmem>>, vector<1x128xf32>,
    %get3A_76 = arith.constant 1 : index
    %get3A_77 = arith.constant 0 : index
    %get3A_78 = vector.load %arg11[%get3A_76, %get3A_77] : memref<8x128xf32, #tpu.memory_space<vmem>>, vector<1x128xf32>
    %max3A_79 = arith.maximumf %get3A_78, %broadcast_in_dim3A_69 : vector<1x128xf32>
    %swap3A_80 = arith.constant 1 : index
    %swap3A_81 = arith.constant 0 : index
    %swap3A_82 = vector.load %arg11[%swap3A_80, %swap3A_81] : memref<8x128xf32, #tpu.memory_space<vmem>>, vector<1x128xf32>
    tpu.vector_store %arg11[%swap3A_80, %swap3A_81], %max3A_79 {strides = array<i32>} : memref<8x128xf32, #tpu.memory_space<vmem>>, vector<1x128xf32>,
    %eq3A_83 = arith.constant 24 : i32
    %eq3A_84 = arith.cmpi eq, %arg0, %eq3A_83 : i32
    %convert_element_type3A_85 = arith.extui %eq3A_84 : i1 to i32
    %cond3A_86 = arith.constant 0 : i32
    %cond3A_87 = arith.cmpi ne, %convert_element_type3A_85, %cond3A_86 : i32
    scf.if %cond3A_87 {
      %get3A_88 = arith.constant 0 : index
      %get3A_89 = arith.constant 0 : index
      %get3A_90 = vector.load %arg11[%get3A_88, %get3A_89] : memref<8x128xf32, #tpu.memory_space<vmem>>, vector<2x128xf32>
      %swap3A_91 = arith.constant 0 : index
      %swap3A_92 = arith.constant 0 : index
      %swap3A_93 = vector.load %arg10[%swap3A_91, %swap3A_92] : memref<2x128xf32, #tpu.memory_space<vmem>>, vector<2x128xf32>
      tpu.vector_store %arg10[%swap3A_91, %swap3A_92], %get3A_90 {strides = array<i32>} : memref<2x128xf32, #tpu.memory_space<vmem>>, vector<2x128xf32>,
    } else {
    }
    return
  }
  func.func @transform_0(%arg0: i32) -> (i32, i32) {
    %c0_i32 = arith.constant 0 : i32
    %c0_i32_0 = arith.constant 0 : i32
    return %arg0, %c0_i32 : i32, i32
  }
  func.func @transform_1(%arg0: i32) -> (i32, i32) {
    %c0_i32 = arith.constant 0 : i32
    %c0_i32_0 = arith.constant 0 : i32
    %c0_i32_1 = arith.constant 0 : i32
    return %c0_i32, %c0_i32_0 : i32, i32
  }
  func.func @transform_2(%arg0: i32) -> (i32, i32) {
    %c0_i32 = arith.constant 0 : i32
    %c0_i32_0 = arith.constant 0 : i32
    %c0_i32_1 = arith.constant 0 : i32
    return %c0_i32, %c0_i32_0 : i32, i32
  }
  func.func @transform_3(%arg0: i32) -> (i32, i32) {
    %c0_i32 = arith.constant 0 : i32
    %c0_i32_0 = arith.constant 0 : i32
    %c0_i32_1 = arith.constant 0 : i32
    return %c0_i32, %c0_i32_0 : i32, i32
  }
  func.func @transform_4(%arg0: i32) -> (i32, i32) {
    %c0_i32 = arith.constant 0 : i32
    %c0_i32_0 = arith.constant 0 : i32
    %c0_i32_1 = arith.constant 0 : i32
    return %c0_i32, %c0_i32_0 : i32, i32
  }
  func.func @transform_5(%arg0: i32) -> (i32, i32) {
    %c0_i32 = arith.constant 0 : i32
    %c0_i32_0 = arith.constant 0 : i32
    %c0_i32_1 = arith.constant 0 : i32
    return %c0_i32, %c0_i32_0 : i32, i32
  }
  func.func @transform_6(%arg0: i32) -> (i32, i32) {
    %c0_i32 = arith.constant 0 : i32
    %c0_i32_0 = arith.constant 0 : i32
    return %arg0, %c0_i32 : i32, i32
  }
  func.func @transform_7(%arg0: i32) -> (i32, i32) {
    %c0_i32 = arith.constant 0 : i32
    %c0_i32_0 = arith.constant 0 : i32
    return %arg0, %c0_i32 : i32, i32
  }
  func.func @transform_8(%arg0: i32) -> (i32, i32) {
    %c0_i32 = arith.constant 0 : i32
    %c0_i32_0 = arith.constant 0 : i32
    return %arg0, %c0_i32 : i32, i32
  }
  func.func @transform_9(%arg0: i32) -> (i32, i32) {
    %c0_i32 = arith.constant 0 : i32
    %c0_i32_0 = arith.constant 0 : i32
    %c0_i32_1 = arith.constant 0 : i32
    return %c0_i32, %c0_i32_0 : i32, i32
  }
}

module attributes {stable_mosaic.version = 14 : i64} {
  func.func @_sem_body(%arg0: memref<13000x128xf32, #tpu.memory_space<vmem>>, %arg1: memref<128x128xbf16, #tpu.memory_space<vmem>>, %arg2: memref<1x128xf32, #tpu.memory_space<vmem>>, %arg3: memref<1x128xf32, #tpu.memory_space<vmem>>, %arg4: memref<128x16xbf16, #tpu.memory_space<vmem>>, %arg5: memref<128x16xbf16, #tpu.memory_space<vmem>>, %arg6: memref<1x16xf32, #tpu.memory_space<vmem>>, %arg7: memref<6250x16xf32, #tpu.memory_space<vmem>>) attributes {dimension_semantics = [], scalar_prefetch = 0 : i64, scratch_operands = 0 : i64, tpu.core_type = #tpu.core_type<tc>} {
    %get3A = arith.constant 0 : index
    %get3A_0 = arith.constant 0 : index
    %get3A_1 = vector.load %arg0[%get3A, %get3A_0] : memref<13000x128xf32, #tpu.memory_space<vmem>>, vector<6250x128xf32>
    %get3A_2 = arith.constant 6500 : index
    %get3A_3 = arith.constant 0 : index
    %get3A_4 = vector.load %arg0[%get3A_2, %get3A_3] : memref<13000x128xf32, #tpu.memory_space<vmem>>, vector<6250x128xf32>
    %concatenate3A = tpu.concatenate %get3A_1, %get3A_4 in 0 : vector<6250x128xf32>, vector<6250x128xf32> -> vector<12500x128xf32>
    %convert_element_type3A = arith.truncf %concatenate3A : vector<12500x128xf32> to vector<12500x128xbf16>
    %get3A_5 = arith.constant 0 : index
    %get3A_6 = arith.constant 0 : index
    %get3A_7 = vector.load %arg1[%get3A_5, %get3A_6] : memref<128x128xbf16, #tpu.memory_space<vmem>>, vector<128x128xbf16>
    %dot_general3A = arith.constant dense<0.000000e+00> : vector<12500x128xf32>
    %dot_general3A_8 = tpu.matmul %convert_element_type3A, %get3A_7, %dot_general3A {dimension_numbers = #tpu.dot_dimension_numbers<[1], [0], [0], [1], [0, 0, 1, 1], [], []>, transpose_lhs_hint = false} : vector<12500x128xbf16>, vector<128x128xbf16>, vector<12500x128xf32> -> vector<12500x128xf32>
    %get3A_9 = arith.constant 0 : index
    %get3A_10 = arith.constant 0 : index
    %get3A_11 = vector.load %arg2[%get3A_9, %get3A_10] : memref<1x128xf32, #tpu.memory_space<vmem>>, vector<1x128xf32>
    %add3A = vector.broadcast %get3A_11 : vector<1x128xf32> to vector<12500x128xf32>
    %add3A_12 = arith.addf %dot_general3A_8, %add3A : vector<12500x128xf32>
    %tanh3A = math.tanh %add3A_12 : vector<12500x128xf32>
    %get3A_13 = arith.constant 0 : index
    %get3A_14 = arith.constant 0 : index
    %get3A_15 = vector.load %arg3[%get3A_13, %get3A_14] : memref<1x128xf32, #tpu.memory_space<vmem>>, vector<1x128xf32>
    %mul3A = vector.broadcast %get3A_15 : vector<1x128xf32> to vector<12500x128xf32>
    %mul3A_16 = arith.mulf %tanh3A, %mul3A : vector<12500x128xf32>
    %slice3A = vector.extract_strided_slice %mul3A_16 {offsets = [0, 0], sizes = [6250, 128], strides = [1, 1]} : vector<12500x128xf32> to vector<6250x128xf32>
    %reduce_sum3A = vector.shape_cast %slice3A : vector<6250x128xf32> to vector<1x6250x128xf32>
    %reduce_sum3A_17 = arith.constant dense<0.000000e+00> : vector<1xf32>
    %reduce_sum3A_18 = vector.multi_reduction <add>, %reduce_sum3A, %reduce_sum3A_17 [1, 2] : vector<1x6250x128xf32> to vector<1xf32>
    %reduce_sum3A_19 = vector.shape_cast %reduce_sum3A_18 : vector<1xf32> to vector<1x1x1xf32>
    %reduce_sum3A_20 = vector.extract %reduce_sum3A_19[0, 0, 0] : f32 from vector<1x1x1xf32>
    %div3A = arith.constant 5.000000e+04 : f32
    %div3A_21 = arith.divf %reduce_sum3A_20, %div3A : f32
    %slice3A_22 = vector.extract_strided_slice %mul3A_16 {offsets = [6250, 0], sizes = [6250, 128], strides = [1, 1]} : vector<12500x128xf32> to vector<6250x128xf32>
    %reduce_sum3A_23 = vector.shape_cast %slice3A_22 : vector<6250x128xf32> to vector<1x6250x128xf32>
    %reduce_sum3A_24 = arith.constant dense<0.000000e+00> : vector<1xf32>
    %reduce_sum3A_25 = vector.multi_reduction <add>, %reduce_sum3A_23, %reduce_sum3A_24 [1, 2] : vector<1x6250x128xf32> to vector<1xf32>
    %reduce_sum3A_26 = vector.shape_cast %reduce_sum3A_25 : vector<1xf32> to vector<1x1x1xf32>
    %reduce_sum3A_27 = vector.extract %reduce_sum3A_26[0, 0, 0] : f32 from vector<1x1x1xf32>
    %div3A_28 = arith.constant 5.000000e+04 : f32
    %div3A_29 = arith.divf %reduce_sum3A_27, %div3A_28 : f32
    %max3A = arith.maximumf %div3A_21, %div3A_29 : f32
    %sub3A = arith.subf %div3A_21, %max3A : f32
    %exp3A = math.exp %sub3A : f32
    %sub3A_30 = arith.subf %div3A_29, %max3A : f32
    %exp3A_31 = math.exp %sub3A_30 : f32
    %add3A_32 = arith.addf %exp3A, %exp3A_31 : f32
    %div3A_33 = arith.divf %exp3A, %add3A_32 : f32
    %add3A_34 = arith.addf %exp3A, %exp3A_31 : f32
    %div3A_35 = arith.divf %exp3A_31, %add3A_34 : f32
    %mul3A_36 = vector.broadcast %div3A_33 : f32 to vector<6250x128xf32>
    %mul3A_37 = arith.mulf %get3A_1, %mul3A_36 : vector<6250x128xf32>
    %mul3A_38 = vector.broadcast %div3A_35 : f32 to vector<6250x128xf32>
    %mul3A_39 = arith.mulf %get3A_4, %mul3A_38 : vector<6250x128xf32>
    %add3A_40 = arith.addf %mul3A_37, %mul3A_39 : vector<6250x128xf32>
    %convert_element_type3A_41 = arith.truncf %add3A_40 : vector<6250x128xf32> to vector<6250x128xbf16>
    %convert_element_type3A_42 = arith.extf %convert_element_type3A_41 : vector<6250x128xbf16> to vector<6250x128xf32>
    %sub3A_43 = arith.subf %add3A_40, %convert_element_type3A_42 : vector<6250x128xf32>
    %convert_element_type3A_44 = arith.truncf %sub3A_43 : vector<6250x128xf32> to vector<6250x128xbf16>
    %get3A_45 = arith.constant 0 : index
    %get3A_46 = arith.constant 0 : index
    %get3A_47 = vector.load %arg4[%get3A_45, %get3A_46] : memref<128x16xbf16, #tpu.memory_space<vmem>>, vector<128x16xbf16>
    %get3A_48 = arith.constant 0 : index
    %get3A_49 = arith.constant 0 : index
    %get3A_50 = vector.load %arg5[%get3A_48, %get3A_49] : memref<128x16xbf16, #tpu.memory_space<vmem>>, vector<128x16xbf16>
    %dot_general3A_51 = arith.constant dense<0.000000e+00> : vector<6250x16xf32>
    %dot_general3A_52 = tpu.matmul %convert_element_type3A_41, %get3A_47, %dot_general3A_51 {dimension_numbers = #tpu.dot_dimension_numbers<[1], [0], [0], [1], [0, 0, 1, 1], [], []>, transpose_lhs_hint = false} : vector<6250x128xbf16>, vector<128x16xbf16>, vector<6250x16xf32> -> vector<6250x16xf32>
    %dot_general3A_53 = arith.constant dense<0.000000e+00> : vector<6250x16xf32>
    %dot_general3A_54 = tpu.matmul %convert_element_type3A_41, %get3A_50, %dot_general3A_53 {dimension_numbers = #tpu.dot_dimension_numbers<[1], [0], [0], [1], [0, 0, 1, 1], [], []>, transpose_lhs_hint = false} : vector<6250x128xbf16>, vector<128x16xbf16>, vector<6250x16xf32> -> vector<6250x16xf32>
    %add3A_55 = arith.addf %dot_general3A_52, %dot_general3A_54 : vector<6250x16xf32>
    %dot_general3A_56 = arith.constant dense<0.000000e+00> : vector<6250x16xf32>
    %dot_general3A_57 = tpu.matmul %convert_element_type3A_44, %get3A_47, %dot_general3A_56 {dimension_numbers = #tpu.dot_dimension_numbers<[1], [0], [0], [1], [0, 0, 1, 1], [], []>, transpose_lhs_hint = false} : vector<6250x128xbf16>, vector<128x16xbf16>, vector<6250x16xf32> -> vector<6250x16xf32>
    %add3A_58 = arith.addf %add3A_55, %dot_general3A_57 : vector<6250x16xf32>
    %get3A_59 = arith.constant 0 : index
    %get3A_60 = arith.constant 0 : index
    %get3A_61 = vector.load %arg6[%get3A_59, %get3A_60] : memref<1x16xf32, #tpu.memory_space<vmem>>, vector<1x16xf32>
    %add3A_62 = vector.broadcast %get3A_61 : vector<1x16xf32> to vector<6250x16xf32>
    %add3A_63 = arith.addf %add3A_58, %add3A_62 : vector<6250x16xf32>
    %swap3A = arith.constant 0 : index
    %swap3A_64 = arith.constant 0 : index
    %swap3A_65 = vector.load %arg7[%swap3A, %swap3A_64] : memref<6250x16xf32, #tpu.memory_space<vmem>>, vector<6250x16xf32>
    tpu.vector_store %arg7[%swap3A, %swap3A_64], %add3A_63 {strides = array<i32>} : memref<6250x16xf32, #tpu.memory_space<vmem>>, vector<6250x16xf32>,
    return
  }
}

</mosaic_0001>

<sc_bundles>
// kernel: kernel.5.cloned.1.call-start
scs
__scs_entry_jumppad:
0x0: {  	(pc) =	sbr.rel $0x88, $3  }
0x1: {  	(tag) =	ssettag $0x0;
	lr =	simm.s32 $0x1  }
0x2: {  	[smem:$0x3F96] =	sst lr;
	_ =	strace $0xD0000000  }
0x3: {  	_ = 	snop  }
0x4: {  	_ = 	snop  }
0x5: {  	_ = 	snop  }
0x6: {  	_ = 	snop  }
0x7: {  	_ = 	snop  }
__scs_overlays_trampoline_lowered:
0x8: {  	[smem:$0x3FA5] =	sst s0  }
0x9: {  	[smem:$0x3FA6] =	sst s1  }
0xa: {  	[smem:$0x3FA7] =	sst s2  }
0xb: {  	[smem:$0x3FA8] =	sst s3  }
0xc: {  	[smem:$0x3FA9] =	sst s4  }
0xd: {  	[smem:$0x3FAA] =	sst s5  }
0xe: {  	[smem:$0x3FAB] =	sst s6  }
0xf: {  	[smem:$0x3FAC] =	sst s7  }
0x10: {  	[smem:$0x3FAD] =	sst s8  }
0x11: {  	[smem:$0x3FAE] =	sst s9;
	s0 =	simm.s32 @!p0 $0x0  }
0x12: {  	s1 =	sld [smem:$0x3F94];
	s0 =	simm.s32 @p0 $0x1  }
0x13: {  	[smem:$0x3FAF] =	sst s0;
	s0 =	simm.s32 @!p1 $0x0  }
0x14: {  	s2 =	sld [smem:$0x3F93];
	s0 =	simm.s32 @p1 $0x1  }
0x15: {  	[smem:$0x3FB0] =	sst s0;
	s0 =	simm.s32 @!p2 $0x0  }
0x16: {  	s3 =	sld [smem:$0x3FDB];
	s0 =	simm.s32 @p2 $0x1  }
0x17: {  	s4 =	simm.s32 $0x1BF5;
	[smem:$0x3FB2] =	sst s0  }
0x18: {  	s0 =	sld [smem:$0x3F95];
	_ =	swait.ge [sflag:s4], $0x0  }
0x19: {  	s7 =	sld [smem:$0x3F96]  }
0x1a: {  	s8 =	sadd.s32 $0xFFFFE003, lr  }
0x1b: {  	s9 =	sadd.s32 $0xFFFFFEF7, lr;
	s5 =	simm.s32 $0xFFFFFFFF;
	p2 =	slt.u32 s8, $0xFFFFF086  }
0x1c: {  	p1 =	slt.u32 s9, $0xF7A;
	s5 =	simm.s32 @!p2 $0x0  }
0x1d: {  	s5 =	simm.s32 @p1 $0x1;
	p0 =	seq.s32 s7, s2  }
0x1e: {  	s7 =	smul.u32 @!p0 $0xF7A, s2;
	p2 =	seq.s32 @!p0 s5, $0x0  }
0x1f: {  	s9 =	smul.u32 $0xF7A, s1;
	s8 =	simm.s32 @!p0 $0x1BF5;
	p2 =	por !p2, p0  }
0x20: {  	[sflag:s8] =	ssyncset.s32 @!p0 $0xFFFFF086;
	s6 =	sadd.s32 @!p0 s3, s7;
	s7 =	simm.s32 @!p0 $0x108  }
0x21: {  	s3 =	sadd.s32 s3, s9;
	s6 =	sadd.s32 @!p0 $0x88, s6;
	s7 =	simm.s32 @p2 $0x1082  }
0x22: {  	[simem:s7], [sflag:s8] =	dma.local @!p0 [hbm:s6], $0xF7A  }
0x23: {  	s9 =	sor.u32 $0xD0000000, s2;
	s6 =	simm.s32 $0x108;
	_ =	swait.ge @!p0 [sflag:s8], $0x0  }
0x24: {  	s3 =	sadd.s32 $0x88, s3;
	s6 =	simm.s32 @!p1 $0x1082;
	[sflag:s4] =	ssyncset.s32 $0xFFFFF086  }
0x25: {  	[simem:s6], [sflag:s4] =	dma.local [hbm:s3], $0xF7A  }
0x26: {  	[smem:$0x3F96] =	sst s1;
	(tag) =	ssettag s2;
	_ =	strace s9  }
0x27: {  	s1 =	sld [smem:$0x3FA6]  }
0x28: {  	s2 =	sld [smem:$0x3FA7]  }
0x29: {  	s4 =	sld [smem:$0x3FA9]  }
0x2a: {  	p0 =	seq.s32 s5, $0x0;
	s5 =	sld [smem:$0x3FAA]  }
0x2b: {  	s6 =	sld [smem:$0x3FAB]  }
0x2c: {  	s7 =	sld [smem:$0x3FAC]  }
0x2d: {  	s3 =	simm.s32 $0x108;
	s8 =	sld [smem:$0x3FAD]  }
0x2e: {  	s3 =	simm.s32 @!p0 $0x1082;
	s9 =	sld [smem:$0x3FAE]  }
0x2f: {  	lr =	sadd.s32 s0, s3;
	s0 =	sld [smem:$0x3FA5]  }
0x30: {  	s3 =	sld [smem:$0x3FA8]  }
0x31: {  	[smem:$0x3FB1] =	sst s10  }
0x32: {  	s10 =	sld [smem:$0x3FAF];
	_ =	sdelay $0x3  }
0x33: {  	p0 =	seq.s32 s10, $0x1;
	s10 =	sld [smem:$0x3FB1];
	_ =	sdelay $0x3  }
0x34: {  	[smem:$0x3FB1] =	sst s10  }
0x35: {  	s10 =	sld [smem:$0x3FB0];
	_ =	sdelay $0x3  }
0x36: {  	p1 =	seq.s32 s10, $0x1;
	s10 =	sld [smem:$0x3FB1];
	_ =	sdelay $0x3  }
0x37: {  	[smem:$0x3FB1] =	sst s10  }
0x38: {  	s10 =	sld [smem:$0x3FB2]  }
0x39: {  	_ = 	snop;
	(pc) =	sbr.ind lr, $3  }
0x3a: {  	_ = 	snop  }
0x3b: {  	_ = 	snop  }
0x3c: {  	p2 =	seq.s32 s10, $0x1;
	s10 =	sld [smem:$0x3FB1]  }
0x3d: {  	_ =	shalt  }
0x3e: {  	_ =	shalt  }
0x3f: {  	_ =	shalt  }
0x40: {  	_ =	shalt  }
0x41: {  	_ =	shalt  }
0x42: {  	_ =	shalt  }
0x43: {  	_ =	shalt  }
0x44: {  	_ =	shalt  }
0x45: {  	_ =	shalt  }
0x46: {  	_ =	shalt  }
0x47: {  	_ =	shalt  }
0x48: {  	_ =	shalt  }
0x49: {  	_ =	shalt  }
0x4a: {  	_ =	shalt  }
0x4b: {  	_ =	shalt  }
0x4c: {  	_ =	shalt  }
0x4d: {  	_ =	shalt  }
0x4e: {  	_ =	shalt  }
0x4f: {  	_ =	shalt  }
0x50: {  	_ =	shalt  }
0x51: {  	_ =	shalt  }
0x52: {  	_ =	shalt  }
0x53: {  	_ =	shalt  }
0x54: {  	_ =	shalt  }
0x55: {  	_ =	shalt  }
0x56: {  	_ =	shalt  }
0x57: {  	_ =	shalt  }
0x58: {  	_ =	shalt  }
0x59: {  	_ =	shalt  }
0x5a: {  	_ =	shalt  }
0x5b: {  	_ =	shalt  }
0x5c: {  	_ =	shalt  }
0x5d: {  	_ =	shalt  }
0x5e: {  	_ =	shalt  }
0x5f: {  	_ =	shalt  }
0x60: {  	_ =	shalt  }
0x61: {  	_ =	shalt  }
0x62: {  	_ =	shalt  }
0x63: {  	_ =	shalt  }
0x64: {  	_ =	shalt  }
0x65: {  	_ =	shalt  }
0x66: {  	_ =	shalt  }
0x67: {  	_ =	shalt  }
0x68: {  	_ =	shalt  }
0x69: {  	_ =	shalt  }
0x6a: {  	_ =	shalt  }
0x6b: {  	_ =	shalt  }
0x6c: {  	_ =	shalt  }
0x6d: {  	_ =	shalt  }
0x6e: {  	_ =	shalt  }
0x6f: {  	_ =	shalt  }
0x70: {  	_ =	shalt  }
0x71: {  	_ =	shalt  }
0x72: {  	_ =	shalt  }
0x73: {  	_ =	shalt  }
0x74: {  	_ =	shalt  }
0x75: {  	_ =	shalt  }
0x76: {  	_ =	shalt  }
0x77: {  	_ =	shalt  }
0x78: {  	_ =	shalt  }
0x79: {  	_ =	shalt  }
0x7a: {  	_ =	shalt  }
0x7b: {  	_ =	shalt  }
0x7c: {  	_ =	shalt  }
0x7d: {  	_ =	shalt  }
0x7e: {  	_ =	shalt  }
0x7f: {  	_ =	shalt  }
0x80: {  	_ =	shalt  }
0x81: {  	_ =	shalt  }
0x82: {  	_ =	shalt  }
0x83: {  	_ =	shalt  }
0x84: {  	_ =	shalt  }
0x85: {  	_ =	shalt  }
0x86: {  	_ =	shalt  }
0x87: {  	_ =	shalt  }
.Lfunc_end0:
.L_simem_size_0:
called_computation_lowered:
.L_overlay_start_0:
0x88: {  	s2 =	sld [smem:$0x3FD9]  }
0x89: {  	s3 =	sld [smem:$0x3FFE];
	_ =	sdelay $0x1  }
0x8a: {  	s1 =	srdreg.scid  }
0x8b: {  	s0 =	sand.u32 $0x1, s1  }
0x8c: {  	s17 =	sshll.u32 s0, $0xA;
	s2 =	sadd.s32 s3, s2  }
0x8d: {  	s2 =	sadd.s32 s2, s17  }
0x8e: {  	[smem:$0x3FBD] =	sst s2  }
0x8f: {  	_ = 	snop  }
0x90: {  	s2 =	sld [smem:$0x3FD0];
	(tm) =	ssettm $0x1  }
0x91: {  	s18 =	sld [smem:$0x3FFB];
	_ =	sdelay $0x3  }
0x92: {  	_ =	strace s18  }
0x93: {  	s3 =	sld [smem:$0x3FFC];
	_ =	sdelay $0x3  }
0x94: {  	_ =	strace s3  }
0x95: {  	s3 =	sld [smem:$0x3FFD];
	_ =	sdelay $0x3  }
0x96: {  	_ =	strace s3  }
0x97: {  	_ =	strace $0x8FFFFFFF  }
0x98: {  	s19 =	sld [smem:$0x3FDB];
	_ =	sdelay $0x1  }
0x99: {  	s4 =	simm.s32 $_scs_section_size  }
0x9a: {  	s5 =	simm.s32 $_size__tile_overlayer_lowered;
	s6 =	simm.s32 $_tile_overlayer_lowered  }
0x9b: {  	s22 =	simm.s32 $0x1BFF;
	s21 =	sshll.u32 s6, $0x1;
	s3 =	sadd.s32 s4, s19  }
0x9c: {  	s7 =	simm.s32 $0x0;
	s20 =	sshll.u32 s5, $0x1;
	s5 =	sadd.s32 s21, s3  }
0x9d: {  	[timem:s7], [sflag:s22] =	dma.local [hbm:s5], s20  }
0x9e: {  	_ =	swait.ge [sflag:s22], s20  }
0x9f: {  	s4 =	ssub.s32 $0x0, s20;
	[sflag:s22] =	ssyncset.done $0x0  }
0xa0: {  	[sflag:s22] =	ssyncadd.s32 s4;
	_ =	sdelay $0x1  }
0xa1: {  	s23 =	simm.s32 $0x1B8B  }
0xa2: {  	_ =	swait.ge [sflag:s23], $0x1  }
0xa3: {  	[sflag:s23] =	ssyncset.done $0x0  }
0xa4: {  	s25 =	simm.s32 $0x1B8E;
	s24 =	sld [smem:$0x3FFE];
	[sflag:s23] =	ssyncadd.s32 $0xFFFFFFFF  }
0xa5: {  	s26 =	simm.s32 $execute0_lowered;
	[smem:$0x3FD2] =	sst s25  }
0xa6: {  	s5 =	sshll.u32 s26, $0x1;
	_ =	strace $0x80000046;
	[dreg:$0x1] =	wrdreg $0xFFFFFFFF  }
0xa7: {  	s28 =	simm.s32 $_size_execute0_lowered;
	s3 =	sadd.s32 s3, s5;
	[dreg:$0x0] =	wrdreg $0x0  }
0xa8: {  	s5 =	sshll.u32 s28, $0x1;
	[dreg:$0x2] =	wrdreg s3  }
0xa9: {  	[dreg:$0x3] =	wrdreg s5  }
0xaa: {  	[dreg:$0x4] =	wrdreg $0xC0  }
0xab: {  	_ =	task [dreg:s7], $0x5FFFF  }
0xac: {  	[dreg:$0x1] =	wrdreg $0xFFFFFFFF  }
0xad: {  	[dreg:$0x0] =	wrdreg $0x60  }
0xae: {  	[dreg:$0x2] =	wrdreg s24  }
0xaf: {  	[dreg:$0x3] =	wrdreg s2  }
0xb0: {  	[dreg:$0x4] =	wrdreg $0x78000  }
0xb1: {  	[dreg:$0x5] =	wrdreg $0x13B800  }
0xb2: {  	[dreg:$0x6] =	wrdreg $0x9  }
0xb3: {  	_ =	task.clear_ibuf [dreg:s7], $0x7FFFF;
	_ =	strace $0x90000046  }
0xb4: {  	s29 =	simm.s32 $0x9;
	_ =	strace $0x80000048  }
0xb5: {  	_ =	swait.ge [sflag:s29], $0x1  }
0xb6: {  	[sflag:s29] =	ssyncadd.s32 $0xFFFFFFFF  }
0xb7: {  	_ =	strace $0x90000048  }
0xb8: {  	_ =	sfence  }
0xb9: {  	s30 =	sld [smem:$0x0];
	_ =	sdelay $0x2  }
0xba: {  	s31 =	sshll.u32 s1, $0xD;
	s1 =	sshrl.u32 s1, $0x2  }
0xbb: {  	s3 =	sand.u32 $0x4000, s31;
	s1 =	sadd.s32 s1, s30  }
0xbc: {  	s0 =	sor.u32 s3, s0;
	s1 =	sshll.u32 s1, $0x11  }
0xbd: {  	s0 =	sor.u32 s1, s0  }
0xbe: {  	s0 =	sadd.s32 $0x8F2B, s0  }
0xbf: {  	[sflag:s0] =	ssyncadd.remote.s32 $0x1  }
0xc0: {  	_ =	sfence.sel $0xFFFF  }
0xc1: {  	[dreg:$0x0] =	wrdreg $0xFFFFFFFF;
	(pc) =	sbr.abs _section_cstart, $3  }
0xc2: {  	[dreg:$0x1] =	wrdreg $0xFFFFFFFF  }
0xc3: {  	_ =	task.clear_ibuf [dreg:s7], $0x2FFFF;
	_ =	strace $0x9FFFFFFF  }
0xc4: {  	(tm) =	ssettm $0x7FFFFFFF  }
0xc5: {  	_ =	shalt  }
tec
execute0_lowered:
.L_overlay_start_1:
0x0: {  	(tag) =	ssettag $0x1  }
0x1: {  	s0 =	rddreg [dreg:$0x0]  }
0x2: {  	s2 =	rddreg [dreg:$0x2]  }
0x3: {  	s3 =	rddreg [dreg:$0x3];
	s4 =	simm.s32 $0x0;
	s1 =	srdreg.scid  }
0x4: {  	s12 =	stileid.u32;
	s21 =	simm.s32 $0x5;
	s22 =	simm.s32 $0x6700  }
0x5: {  	s28 =	simm.s32 $0x6400;
	s30 =	simm.s32 $0x4400;
	s31 =	simm.s32 $0x3  }
0x6: {  	[smem:$0x7FF] =	sst s4;
	s1 =	sand.u32 $0x1, s1;
	s6 =	sadd.s32 $0xDD600, s0  }
0x7: {  	s7 =	sadd.s32 $0xC4E00, s0;
	s10 =	sshll.u32 s12, $0x8;
	s8 =	sadd.s32 $0x4AE00, s0  }
0x8: {  	_ =	strace $0x80000047;
	s5 =	smul.u32 $0x62000, s1;
	s9 =	ssub.s32 $0x2, s1  }
0x9: {  	s16 =	smul.u32 $0xCB20, s1;
	s1 =	simm.s32 $0x5400;
	s23 =	sshrl.u32 s9, $0x1  }
0xa: {  	s5 =	sor.u32 s10, s5;
	s0 =	ssub.s32 s9, s23;
	s9 =	smul.u32 $0xC38, s12  }
0xb: {  	s12 =	smul.u32 $0x30E00, s12;
	s23 =	simm.s32 $0x100;
	s10 =	sshrl.u32 s5, $0x3  }
0xc: {  	s14 =	sadd.s32 $0x2000, s5;
	s15 =	sadd.s32 $0x3000, s5;
	s0 =	smax.u32 s0, $0x1  }
0xd: {  	s5 =	simm.s32 $0x1400;
	s11 =	sadd.s32 s6, s10;
	[dreg:$0x9] =	wrdreg s0  }
0xe: {  	s24 =	sor.u32 $0x200, s10;
	s10 =	sadd.s32 s7, s10;
	[dreg:$0x5] =	wrdreg s11  }
0xf: {  	s29 =	sshrl.u32 s12, $0x2;
	s0 =	simm.s32 $0x6500;
	[dreg:$0x6] =	wrdreg s10  }
0x10: {  	s25 =	sadd.s32 s6, s24;
	s26 =	sadd.s32 s7, s24;
	s18 =	sadd.s32 s29, s2  }
0x11: {  	s19 =	sadd.s32 s29, s3;
	s24 =	simm.s32 $0x6F80;
	[dreg:$0x7] =	wrdreg s25  }
0x12: {  	v0 =	vimm.f32 $0.0e+00;
	s11 =	simm.s32 $0x0;
	[dreg:$0x8] =	wrdreg s26;
	s26 =	simm.s32 $0x2  }
.LBB2_1:
0x13: {  	[dreg:$0xa] =	wrdreg s11  }
0x14: {  	s10 =	rddreg [dreg:$0x1];
	s29 =	simm.s32 $0x6600  }
0x15: {  	[tilespmem:s29], [sflag:$0x5] =	stream.linear.gather [hbm4b:s10+s4], $0x100, $0x38;
	[tilespmem:$0x1FF00] =	vst v63  }
0x16: {  	_ =	swait.ge [sflag:s21], $0x100  }
0x17: {  	[sflag:s21] =	ssyncset.done $0x0  }
0x18: {  	[sflag:s21] =	ssyncadd.s32 $0xFFFFFF00  }
0x19: {  	v9 =	vld [tilespmem:$0x6600]  }
0x1a: {  	v10 =	vld [tilespmem:$0x6680]  }
0x1b: {  	v15 =	vld [tilespmem:$0x6610]  }
0x1c: {  	v16 =	vld [tilespmem:$0x6690]  }
0x1d: {  	v13 =	vld [tilespmem:$0x6620]  }
0x1e: {  	v14 =	vld [tilespmem:$0x66A0]  }
0x1f: {  	v11 =	vld [tilespmem:$0x6630]  }
0x20: {  	v12 =	vld [tilespmem:$0x66B0]  }
0x21: {  	v7 =	vld [tilespmem:$0x6640]  }
0x22: {  	v8 =	vld [tilespmem:$0x66C0]  }
0x23: {  	v5 =	vld [tilespmem:$0x6650]  }
0x24: {  	v6 =	vld [tilespmem:$0x66D0]  }
0x25: {  	v2 =	vld [tilespmem:$0x6660]  }
0x26: {  	v3 =	vld [tilespmem:$0x66E0]  }
0x27: {  	s10 =	simm.s32 $0x6740;
	v1 =	vld [tilespmem:$0x6670]  }
0x28: {  	v4 =	vld [tilespmem:$0x66F0];
	[tilespmem:s10+$0xFFFFFFC0] =	vst v0  }
0x29: {  	[tilespmem:s10+$0x30] =	vst v0  }
0x2a: {  	[tilespmem:s10+$0x20] =	vst v0  }
0x2b: {  	[tilespmem:s10+$0x10] =	vst v0  }
0x2c: {  	[tilespmem:s10+$0x0] =	vst v0  }
0x2d: {  	[tilespmem:s10+$0xFFFFFFF0] =	vst v0  }
0x2e: {  	s11 =	simm.s32 $0x0;
	[tilespmem:s10+$0xFFFFFFE0] =	vst v0  }
.LBB2_2:
0x2f: {  	s11 =	sadd.s32 $0x8, s11;
	[tilespmem:s10+$0xFFFFFFD0] =	vst v0;
	s10 =	sadd.s32 $0x80, s10  }
0x30: {  	[tilespmem:s10+$0xFFFFFFC0] =	vst v0;
	p0 =	slt.u32 s11, $0x80  }
0x31: {  	[tilespmem:s10+$0x30] =	vst v0  }
.Ltmp0:
0x32: {  	[tilespmem:s10+$0x20] =	vst v0;
	(pc) =	sbr.rel @p0 .LBB2_2-.Ltmp0, $4  }
0x33: {  	[tilespmem:s10+$0x10] =	vst v0  }
0x34: {  	[tilespmem:s10+$0x0] =	vst v0  }
0x35: {  	[tilespmem:s10+$0xFFFFFFF0] =	vst v0  }
0x36: {  	[tilespmem:s10+$0xFFFFFFE0] =	vst v0  }
0x37: {  	[tilespmem:s10+$0xFFFFFFD0] =	vst v0;
	s25 =	sadd.s32 $0x0, s18  }
0x38: {  	[spmem:s25] =	stream.linear.scatter [tilespmem:s22], [sflag:$0x5], $0x880, $0x38;
	[tilespmem:$0x1FF00] =	vst v63  }
0x39: {  	_ =	swait.ge [sflag:s21], $0x880  }
0x3a: {  	[sflag:s21] =	ssyncset.done $0x0  }
0x3b: {  	s29 =	sadd.s32 $0x0, s19;
	[sflag:s21] =	ssyncadd.s32 $0xFFFFF780  }
0x3c: {  	[spmem:s29] =	stream.linear.scatter [tilespmem:s22], [sflag:$0x5], $0x880, $0x38;
	[tilespmem:$0x1FF00] =	vst v63  }
0x3d: {  	_ =	swait.ge [sflag:s21], $0x880  }
0x3e: {  	s11 =	simm.s32 $0x4400;
	s10 =	simm.s32 $0x880;
	[sflag:s21] =	ssyncset.done $0x0  }
.LBB2_4:
0x3f: {  	s12 =	sadd.s32 s10, s18  }
0x40: {  	[sflag:s21] =	ssyncadd.s32 $0xFFFFF780;
	s13 =	smov.u32 s11;
	s17 =	sadd.s32 $0x2200, s11  }
0x41: {  	[spmem:s12] =	stream.linear.scatter [tilespmem:s22], [sflag:$0x5], $0x880, $0x38;
	[tilespmem:$0x1FF00] =	vst v63  }
0x42: {  	p0 =	sne.s32 s11, $0x2EC00;
	_ =	swait.ge [sflag:s21], $0x880  }
.Ltmp1:
0x43: {  	[sflag:s21] =	ssyncset.done $0x0;
	(pc) =	sbr.rel @p0 .LBB2_4-.Ltmp1, $4  }
0x44: {  	s10 =	sadd.s32 s10, s19;
	[sflag:s21] =	ssyncadd.s32 $0xFFFFF780  }
0x45: {  	[spmem:s10] =	stream.linear.scatter [tilespmem:s22], [sflag:$0x5], $0x880, $0x38;
	[tilespmem:$0x1FF00] =	vst v63  }
0x46: {  	_ =	swait.ge [sflag:s21], $0x880  }
0x47: {  	s11 =	smov.u32 s17;
	s10 =	sshra.s32 s13, $0x2;
	[sflag:s21] =	ssyncset.done $0x0  }
0x48: {  	s11 =	sadd.s32 s10, s18;
	[sflag:s21] =	ssyncadd.s32 $0xFFFFF780  }
0x49: {  	[spmem:s11] =	stream.linear.scatter [tilespmem:s22], [sflag:$0x5], $0x880, $0x38;
	[tilespmem:$0x1FF00] =	vst v63  }
0x4a: {  	_ =	swait.ge [sflag:s21], $0x880  }
0x4b: {  	[sflag:s21] =	ssyncset.done $0x0  }
0x4c: {  	s12 =	sadd.s32 s10, s19;
	[sflag:s21] =	ssyncadd.s32 $0xFFFFF780  }
0x4d: {  	[spmem:s12] =	stream.linear.scatter [tilespmem:s22], [sflag:$0x5], $0x880, $0x38;
	[tilespmem:$0x1FF00] =	vst v63  }
0x4e: {  	_ =	swait.ge [sflag:s21], $0x880  }
0x4f: {  	[sflag:s21] =	ssyncset.done $0x0  }
0x50: {  	[sflag:s21] =	ssyncadd.s32 $0xFFFFF780  }
0x51: {  	[bflag:$0x0] =	sbarrier.arrive $0xFFFF  }
0x52: {  	s10 =	simm.s32 $0x0;
	v9 =	vmax.f32 v9, v15;
	v10 =	vmax.f32 v10, v16;
	s13 =	rddreg [dreg:$0x5]  }
0x53: {  	v9 =	vmax.f32 v9, v13;
	v10 =	vmax.f32 v10, v14;
	[tilespmem:s10], [sflag:$0x5] =	stream.linear.gather [hbm4b:s13+s10], $0x100, $0x38;
	[tilespmem:$0x1FF00] =	vst v63  }
0x54: {  	v9 =	vmax.f32 v9, v11;
	v10 =	vmax.f32 v10, v12;
	_ =	swait.ge [sflag:s21], $0x100  }
0x55: {  	v7 =	vmax.f32 v9, v7;
	v8 =	vmax.f32 v10, v8;
	[sflag:s21] =	ssyncset.done $0x0  }
0x56: {  	v5 =	vmax.f32 v7, v5;
	v6 =	vmax.f32 v8, v6;
	s17 =	rddreg [dreg:$0x6];
	[sflag:s21] =	ssyncadd.s32 $0xFFFFFF00  }
0x57: {  	v2 =	vmax.f32 v5, v2;
	v3 =	vmax.f32 v6, v3;
	[tilespmem:s23], [sflag:$0x5] =	stream.linear.gather [hbm4b:s17+s10], $0x100, $0x38;
	[tilespmem:$0x1FF00] =	vst v63  }
0x58: {  	v1 =	vmax.f32 v2, v1;
	v2 =	vmax.f32 v3, v4;
	_ =	swait.ge [sflag:s21], $0x100  }
0x59: {  	v1 =	vadd.f32 v2, v1;
	[sflag:s21] =	ssyncset.done $0x0  }
0x5a: {  	s12 =	simm.s32 $0x200;
	s20 =	rddreg [dreg:$0x7];
	[sflag:s21] =	ssyncadd.s32 $0xFFFFFF00  }
0x5b: {  	v2 =	vmul.f32 $2.000000030e-01, v1;
	[tilespmem:s12], [sflag:$0x2] =	stream.linear.gather [hbm4b:s20+s10], $0x100, $0x38;
	[tilespmem:$0x1FF00] =	vst v63  }
0x5c: {  	s29 =	simm.s32 $0x300;
	s25 =	rddreg [dreg:$0x8]  }
0x5d: {  	v1 =	vmax.f32 v1, v2;
	[tilespmem:s29], [sflag:$0x2] =	stream.linear.gather [hbm4b:s25+s10], $0x100, $0x38;
	[tilespmem:$0x1FF00] =	vst v63  }
.LBB2_6:
0x5e: {  	p0 =	seq.s32 s10, $0x0  }
0x5f: {  	s11 =	simm.s32 @!p0 $0x4  }
0x60: {  	_ =	swait.ge @!p0 [sflag:s11], $0x1000  }
0x61: {  	[sflag:s11] =	ssyncset.done @!p0 $0x0  }
0x62: {  	[sflag:s11] =	ssyncadd.s32 @!p0 $0xFFFFF000  }
0x63: {  	_ =	swait.ge @!p0 [sflag:s11], $0x1000  }
0x64: {  	[sflag:s11] =	ssyncset.done @!p0 $0x0  }
0x65: {  	[sflag:s11] =	ssyncadd.s32 @!p0 $0xFFFFF000  }
0x66: {  	_ =	swait.ge [sflag:s26], $0x100  }
0x67: {  	[sflag:s26] =	ssyncset.done $0x0  }
0x68: {  	[sflag:s26] =	ssyncadd.s32 $0xFFFFFF00  }
0x69: {  	_ =	swait.ge [sflag:s26], $0x100  }
0x6a: {  	[sflag:s26] =	ssyncset.done $0x0  }
0x6b: {  	[sflag:s26] =	ssyncadd.s32 $0xFFFFFF00  }
0x6c: {  	v2 =	vld [tilespmem:$0x100]  }
0x6d: {  	v3 =	vld [tilespmem:$0x110]  }
0x6e: {  	v4 =	vld [tilespmem:$0x120]  }
0x6f: {  	v5 =	vld [tilespmem:$0x130]  }
0x70: {  	v6 =	vld [tilespmem:$0x140]  }
0x71: {  	[tilespmem:$0x6400] =	vst v2;
	v2 =	vld [tilespmem:$0x150]  }
0x72: {  	[tilespmem:$0x6410] =	vst v3;
	v3 =	vld [tilespmem:$0x160]  }
0x73: {  	[tilespmem:$0x6420] =	vst v4;
	v4 =	vld [tilespmem:$0x170]  }
0x74: {  	[tilespmem:$0x6430] =	vst v5;
	v5 =	vld [tilespmem:$0x180]  }
0x75: {  	[tilespmem:$0x6440] =	vst v6;
	v6 =	vld [tilespmem:$0x190]  }
0x76: {  	[tilespmem:$0x6450] =	vst v2;
	v2 =	vld [tilespmem:$0x1A0]  }
0x77: {  	[tilespmem:$0x6460] =	vst v3;
	v3 =	vld [tilespmem:$0x1B0]  }
0x78: {  	[tilespmem:$0x6470] =	vst v4;
	v4 =	vld [tilespmem:$0x1C0]  }
0x79: {  	[tilespmem:$0x6480] =	vst v5;
	v5 =	vld [tilespmem:$0x1D0]  }
0x7a: {  	[tilespmem:$0x6490] =	vst v6;
	v6 =	vld [tilespmem:$0x1E0]  }
0x7b: {  	[tilespmem:$0x64A0] =	vst v2;
	v2 =	vld [tilespmem:$0x1F0]  }
0x7c: {  	[tilespmem:$0x64B0] =	vst v3  }
0x7d: {  	s11 =	sshll.u32 s10, $0xD;
	p0 =	seq.s32 s10, $0x30;
	[tilespmem:$0x64C0] =	vst v4  }
0x7e: {  	s12 =	sadd.s32 @!p0 s11, s14;
	[tilespmem:$0x64D0] =	vst v5  }
0x7f: {  	s12 =	sshrl.u32 @!p0 s12, $0x3;
	[tilespmem:$0x64E0] =	vst v6  }
0x80: {  	s17 =	simm.s32 @!p0 $0x0;
	s13 =	sadd.s32 @!p0 s6, s12;
	[tilespmem:$0x64F0] =	vst v2  }
0x81: {  	[tilespmem:s17], [sflag:$0x1] =	stream.linear.gather @!p0 [hbm4b:s13+s17], $0x100, $0x38;
	[tilespmem:$0x1FF00] =	vst v63  }
0x82: {  	s20 =	simm.s32 $0x440;
	s12 =	sadd.s32 @!p0 s7, s12;
	s13 =	simm.s32 @!p0 $0x100  }
0x83: {  	[tilespmem:s13], [sflag:$0x1] =	stream.linear.gather @!p0 [hbm4b:s12+s17], $0x100, $0x38;
	[tilespmem:$0x1FF00] =	vst v63  }
0x84: {  	s25 =	simm.s32 $0x2440;
	v2 =	vld [tilespmem:s20+$0x30]  }
0x85: {  	v3 =	vld [tilespmem:s25+$0x30];
	_ =	sdelay $0x1  }
0x86: {  	v4 =	vld [tilespmem:s25+$0xFFFFFFC0]  }
0x87: {  	v5 =	vld [tilespmem:s20+$0xFFFFFFD0]  }
0x88: {  	v6 =	vld [tilespmem:s25+$0xFFFFFFD0]  }
0x89: {  	v7 =	vld [tilespmem:s25+$0xFFFFFFE0];
	v2 =	vadd.f32 v3, v2  }
0x8a: {  	v9 =	vld [tilespmem:s20+$0xFFFFFFF0]  }
0x8b: {  	v3 =	vld [tilespmem:s20+$0xFFFFFFE0];
	v8 =	vmul.f32 $2.000000030e-01, v2  }
0x8c: {  	v10 =	vld [tilespmem:s25+$0xFFFFFFF0]  }
0x8d: {  	v5 =	vadd.f32 v6, v5;
	v6 =	vld [tilespmem:s25+$0x0];
	v2 =	vmax.f32 v2, v8  }
0x8e: {  	v8 =	vld [tilespmem:s20+$0x0];
	v2 =	vsub.f32 v2, v1  }
0x8f: {  	v11 =	vld [tilespmem:s20+$0x10]  }
0x90: {  	v12 =	vmul.f32 $2.000000030e-01, v5;
	v3 =	vadd.f32 v7, v3;
	v7 =	vld [tilespmem:s25+$0x10];
	v2 =	vmul.f32 $1.442695020e+00, v2  }
0x91: {  	v13 =	vld [tilespmem:s20+$0x20];
	v9 =	vadd.f32 v10, v9  }
0x92: {  	v10 =	vld [tilespmem:s25+$0x20];
	(erf) = vpow2.f32 v2;
	v2 =	vmax.f32 v5, v12;
	v5 =	vmul.f32 $2.000000030e-01, v3  }
0x93: {  	v12 =	vld [tilespmem:s20+$0xFFFFFFC0];
	v6 =	vadd.f32 v6, v8  }
0x94: {  	v2 =	vsub.f32 v2, v1;
	v3 =	vmax.f32 v3, v5;
	v5 =	vmul.f32 $2.000000030e-01, v9  }
0x95: {  	v7 =	vadd.f32 v7, v11;
	v8 =	vmul.f32 $2.000000030e-01, v6  }
0x96: {  	v2 =	vmul.f32 $1.442695020e+00, v2;
	v3 =	vsub.f32 v3, v1;
	v5 =	vmax.f32 v9, v5  }
0x97: {  	v9 =	vadd.f32 v10, v13;
	v6 =	vmax.f32 v6, v8;
	v5 =	vsub.f32 v5, v1  }
0x98: {  	s12 =	simm.s32 $0x4C0;
	(erf) = vpow2.f32 v2;
	v2 =	vmul.f32 $2.000000030e-01, v7;
	v4 =	vadd.f32 v4, v12  }
0x99: {  	v14 =	vld [tilespmem:s12+$0xFFFFFFF0];
	v3 =	vmul.f32 $1.442695020e+00, v3;
	v6 =	vsub.f32 v6, v1;
	v8 =	vmul.f32 $2.000000030e-01, v9  }
0x9a: {  	s17 =	simm.s32 $0x24C0;
	v10 =	vld [tilespmem:s12+$0x30];
	v5 =	vmul.f32 $1.442695020e+00, v5;
	v2 =	vmax.f32 v7, v2;
	v7 =	vmul.f32 $2.000000030e-01, v4  }
0x9b: {  	v2 =	vsub.f32 v2, v1;
	v11 =	vpop (erf);
	(erf) = vpow2.f32 v3;
	v3 =	vmax.f32 v9, v8;
	v8 =	vld [tilespmem:s17+$0x30]  }
0x9c: {  	v13 =	vld [tilespmem:s17+$0xFFFFFFE0];
	v6 =	vmul.f32 $1.442695020e+00, v6;
	v4 =	vmax.f32 v4, v7;
	v3 =	vsub.f32 v3, v1  }
0x9d: {  	v12 =	vld [tilespmem:s12+$0xFFFFFFE0];
	(erf) = vpow2.f32 v5;
	v2 =	vmul.f32 $1.442695020e+00, v2;
	v4 =	vsub.f32 v4, v1  }
0x9e: {  	v5 =	vld [tilespmem:s12+$0xFFFFFFD0];
	(erf) = vpow2.f32 v6;
	v3 =	vmul.f32 $1.442695020e+00, v3  }
0x9f: {  	(erf) = vpow2.f32 v2;
	v2 =	vmul.f32 $1.442695020e+00, v4;
	v4 =	vld [tilespmem:s17+$0xFFFFFFD0]  }
0xa0: {  	v15 =	vld [tilespmem:s12+$0x0];
	v8 =	vadd.f32 v8, v10  }
0xa1: {  	v17 =	vld [tilespmem:s17+$0x0];
	(erf) = vpow2.f32 v3  }
0xa2: {  	v10 =	vld [tilespmem:s17+$0xFFFFFFF0];
	(erf) = vpow2.f32 v2;
	v16 =	vmul.f32 $2.000000030e-01, v8;
	_ =	sdelay $0x1  }
0xa3: {  	s13 =	simm.s32 $0x4440;
	v19 =	vld [tilespmem:s12+$0x10];
	[tilespmem:s20+$0x30] =	vst v11;
	v12 =	vadd.f32 v13, v12;
	v18 =	vadd.f32 v4, v5;
	v5 =	vmax.f32 v8, v16  }
0xa4: {  	v7 =	vld [tilespmem:s13+$0x30];
	v2 =	vpop (erf);
	v8 =	vsub.f32 v5, v1  }
0xa5: {  	v20 =	vld [tilespmem:s12+$0x20];
	v17 =	vadd.f32 v17, v15;
	v21 =	vmul.f32 $2.000000030e-01, v12;
	v3 =	vpop (erf);
	v16 =	vmul.f32 $2.000000030e-01, v18  }
0xa6: {  	v13 =	vld [tilespmem:s17+$0x10];
	v6 =	vpop (erf);
	v10 =	vadd.f32 v10, v14;
	v14 =	vmul.f32 $1.442695020e+00, v8  }
0xa7: {  	v22 =	vld [tilespmem:s17+$0x20];
	v23 =	vmul.f32 $2.000000030e-01, v17;
	v12 =	vmax.f32 v12, v21;
	v4 =	vpop (erf);
	v16 =	vmax.f32 v18, v16  }
0xa8: {  	v9 =	vld [tilespmem:s17+$0xFFFFFFC0];
	v12 =	vsub.f32 v12, v1;
	[tilespmem:s20+$0xFFFFFFD0] =	vst v2;
	v5 =	vpop (erf);
	v16 =	vsub.f32 v16, v1;
	(erf) = vpow2.f32 v14  }
0xa9: {  	v11 =	vmul.f32 v11, v7;
	[tilespmem:s20+$0xFFFFFFE0] =	vst v3;
	v18 =	vld [tilespmem:s12+$0xFFFFFFC0];
	v21 =	vmul.f32 $2.000000030e-01, v10;
	v7 =	vpop (erf)  }
0xaa: {  	v25 =	vmul.f32 $1.442695020e+00, v12;
	[tilespmem:s20+$0xFFFFFFF0] =	vst v6;
	v12 =	vld [tilespmem:s13+$0xFFFFFFE0];
	v8 =	vpop (erf);
	v24 =	vmul.f32 $1.442695020e+00, v16  }
0xab: {  	v19 =	vadd.f32 v13, v19;
	v13 =	vld [tilespmem:s13+$0xFFFFFFF0];
	v10 =	vmax.f32 v10, v21;
	[tilespmem:s20+$0xFFFFFFC0] =	vst v8  }
0xac: {  	[tilespmem:s13+$0x30] =	vst v11;
	v21 =	vmax.f32 v17, v23;
	v17 =	vadd.f32 v22, v20;
	v15 =	vld [tilespmem:s13+$0xFFFFFFC0];
	(erf) = vpow2.f32 v24  }
0xad: {  	v14 =	vld [tilespmem:s13+$0xFFFFFFD0];
	v23 =	vmul.f32 $2.000000030e-01, v19;
	v10 =	vsub.f32 v10, v1;
	[tilespmem:s20+$0x20] =	vst v7  }
0xae: {  	[tilespmem:s20+$0x0] =	vst v4;
	v22 =	vsub.f32 v21, v1;
	v21 =	vmul.f32 $2.000000030e-01, v17;
	v11 =	vld [tilespmem:s13+$0x20];
	v16 =	vadd.f32 v9, v18  }
0xaf: {  	s29 =	simm.s32 $0x540;
	[tilespmem:s20+$0x10] =	vst v5;
	v23 =	vmax.f32 v19, v23;
	v18 =	vmul.f32 $1.442695020e+00, v10;
	v10 =	vld [tilespmem:s13+$0x0];
	(erf) = vpow2.f32 v25  }
0xb0: {  	s25 =	simm.s32 $0x8;
	s20 =	simm.s32 $0x4440;
	v9 =	vld [tilespmem:s13+$0x10];
	v19 =	vmul.f32 $1.442695020e+00, v22;
	v22 =	vsub.f32 v23, v1;
	v20 =	vmul.f32 $2.000000030e-01, v16  }
.LBB2_7:
0xb1: {  	v23 =	vld [tilespmem:s29+$0x30];
	v17 =	vmax.f32 v17, v21;
	s17 =	sadd.s32 $0x80, s17;
	(erf) = vpow2.f32 v18;
	v18 =	vpop (erf);
	v8 =	vmul.f32 v8, v15  }
0xb2: {  	s25 =	sadd.s32 $0x8, s25;
	s13 =	sadd.s32 $0x80, s13;
	v15 =	vld [tilespmem:s17+$0x30];
	v16 =	vmax.f32 v16, v20;
	v20 =	vmul.f32 $1.442695020e+00, v22;
	v17 =	vsub.f32 v17, v1;
	[tilespmem:s12+$0x30] =	vst v18  }
0xb3: {  	p1 =	slt.u32 s25, $0xF8;
	v16 =	vsub.f32 v16, v1;
	v21 =	vld [tilespmem:s13+$0x30];
	(erf) = vpow2.f32 v19;
	[tilespmem:s20+$0xFFFFFFC0] =	vst v8;
	v8 =	vmul.f32 v2, v14  }
0xb4: {  	v19 =	vld [tilespmem:s17+$0xFFFFFFC0];
	v14 =	vmul.f32 $1.442695020e+00, v17;
	(erf) = vpow2.f32 v20  }
0xb5: {  	v20 =	vmul.f32 v3, v12;
	v17 =	vld [tilespmem:s29+$0xFFFFFFD0];
	v16 =	vmul.f32 $1.442695020e+00, v16;
	v2 =	vpop (erf);
	[tilespmem:s20+$0xFFFFFFD0] =	vst v8  }
0xb6: {  	v6 =	vmul.f32 v6, v13;
	v8 =	vld [tilespmem:s17+$0xFFFFFFD0];
	[tilespmem:s12+$0xFFFFFFD0] =	vst v2;
	(erf) = vpow2.f32 v14  }
0xb7: {  	v10 =	vmul.f32 v4, v10;
	v12 =	vld [tilespmem:s29+$0xFFFFFFE0];
	v13 =	vadd.f32 v15, v23;
	(erf) = vpow2.f32 v16;
	[tilespmem:s20+$0xFFFFFFE0] =	vst v20  }
0xb8: {  	v9 =	vmul.f32 v5, v9;
	v14 =	vld [tilespmem:s17+$0xFFFFFFE0];
	v4 =	vmul.f32 v18, v21;
	v3 =	vpop (erf);
	[tilespmem:s20+$0xFFFFFFF0] =	vst v6  }
0xb9: {  	v11 =	vmul.f32 v7, v11;
	v15 =	vld [tilespmem:s29+$0xFFFFFFF0];
	v5 =	vmul.f32 $2.000000030e-01, v13;
	[tilespmem:s12+$0xFFFFFFE0] =	vst v3  }
0xba: {  	v7 =	vld [tilespmem:s17+$0xFFFFFFF0];
	[tilespmem:s13+$0x30] =	vst v4;
	v6 =	vpop (erf)  }
0xbb: {  	v8 =	vadd.f32 v8, v17;
	v16 =	vld [tilespmem:s29+$0x0];
	v18 =	vmax.f32 v13, v5;
	[tilespmem:s12+$0xFFFFFFF0] =	vst v6  }
0xbc: {  	v13 =	vld [tilespmem:s17+$0x0];
	v17 =	vsub.f32 v18, v1;
	v4 =	vpop (erf);
	[tilespmem:s20+$0x0] =	vst v10  }
0xbd: {  	v10 =	vmul.f32 $2.000000030e-01, v8;
	v12 =	vadd.f32 v14, v12;
	v14 =	vld [tilespmem:s29+$0x10];
	[tilespmem:s12+$0x0] =	vst v4;
	v5 =	vpop (erf)  }
0xbe: {  	v18 =	vld [tilespmem:s17+$0x10];
	v17 =	vmul.f32 $1.442695020e+00, v17;
	[tilespmem:s12+$0x10] =	vst v5  }
0xbf: {  	v23 =	vmax.f32 v8, v10;
	v10 =	vmul.f32 $2.000000030e-01, v12;
	v20 =	vadd.f32 v7, v15;
	v21 =	vld [tilespmem:s29+$0x20];
	v7 =	vpop (erf);
	[tilespmem:s20+$0x10] =	vst v9  }
0xc0: {  	v9 =	vsub.f32 v23, v1;
	v22 =	vld [tilespmem:s17+$0x20];
	(erf) = vpow2.f32 v17;
	[tilespmem:s12+$0x20] =	vst v7;
	v8 =	vpop (erf)  }
0xc1: {  	v23 =	vld [tilespmem:s29+$0xFFFFFFC0];
	v10 =	vmax.f32 v12, v10;
	v12 =	vmul.f32 $2.000000030e-01, v20;
	v13 =	vadd.f32 v13, v16;
	[tilespmem:s12+$0xFFFFFFC0] =	vst v8;
	s12 =	smov.u32 s29  }
0xc2: {  	v9 =	vmul.f32 $1.442695020e+00, v9;
	v10 =	vsub.f32 v10, v1;
	v15 =	vld [tilespmem:s13+$0xFFFFFFC0];
	[tilespmem:s20+$0x20] =	vst v11;
	s20 =	smov.u32 s13  }
0xc3: {  	v11 =	vmax.f32 v20, v12;
	v16 =	vmul.f32 $2.000000030e-01, v13;
	v20 =	vadd.f32 v18, v14;
	v14 =	vld [tilespmem:s13+$0xFFFFFFD0]  }
.Ltmp2:
0xc4: {  	v24 =	vmul.f32 $1.442695020e+00, v10;
	v10 =	vsub.f32 v11, v1;
	(erf) = vpow2.f32 v9;
	v12 =	vld [tilespmem:s13+$0xFFFFFFE0];
	(pc) =	sbr.rel @p1 .LBB2_7-.Ltmp2, $4  }
0xc5: {  	v9 =	vmax.f32 v13, v16;
	v11 =	vmul.f32 $2.000000030e-01, v20;
	v17 =	vadd.f32 v22, v21;
	v13 =	vld [tilespmem:s13+$0xFFFFFFF0]  }
0xc6: {  	v16 =	vadd.f32 v19, v23;
	v18 =	vmul.f32 $1.442695020e+00, v10;
	v19 =	vsub.f32 v9, v1;
	v10 =	vld [tilespmem:s13+$0x0]  }
0xc7: {  	v11 =	vmax.f32 v20, v11;
	v21 =	vmul.f32 $2.000000030e-01, v17;
	(erf) = vpow2.f32 v24;
	v9 =	vld [tilespmem:s13+$0x10]  }
0xc8: {  	s29 =	sadd.s32 $0x80, s29;
	v20 =	vmul.f32 $2.000000030e-01, v16;
	v19 =	vmul.f32 $1.442695020e+00, v19;
	v22 =	vsub.f32 v11, v1;
	v11 =	vld [tilespmem:s13+$0x20]  }
0xc9: {  	v17 =	vmax.f32 v17, v21  }
0xca: {  	v17 =	vsub.f32 v17, v1  }
0xcb: {  	(erf) = vpow2.f32 v18;
	v8 =	vmul.f32 v8, v15  }
0xcc: {  	v2 =	vmul.f32 v2, v14;
	v17 =	vmul.f32 $1.442695020e+00, v17  }
0xcd: {  	v16 =	vmax.f32 v16, v20;
	v18 =	vmul.f32 $1.442695020e+00, v22;
	v6 =	vmul.f32 v6, v13;
	[tilespmem:s20+$0xFFFFFFC0] =	vst v8  }
0xce: {  	(erf) = vpow2.f32 v19;
	v16 =	vsub.f32 v16, v1;
	[tilespmem:s20+$0xFFFFFFD0] =	vst v2;
	v2 =	vmul.f32 v3, v12  }
0xcf: {  	v4 =	vmul.f32 v4, v10;
	(erf) = vpow2.f32 v18;
	[tilespmem:s20+$0xFFFFFFF0] =	vst v6  }
0xd0: {  	v16 =	vmul.f32 $1.442695020e+00, v16;
	[tilespmem:s20+$0xFFFFFFE0] =	vst v2;
	(erf) = vpow2.f32 v17;
	v17 =	vpop (erf)  }
0xd1: {  	s13 =	sadd.s32 $0x80, s13;
	v5 =	vmul.f32 v5, v9;
	[tilespmem:s12+$0x30] =	vst v17  }
0xd2: {  	[tilespmem:s20+$0x0] =	vst v4;
	v7 =	vmul.f32 v7, v11;
	(erf) = vpow2.f32 v16;
	v15 =	vld [tilespmem:s13+$0x30]  }
0xd3: {  	[tilespmem:s20+$0x10] =	vst v5  }
0xd4: {  	[tilespmem:s20+$0x20] =	vst v7;
	v8 =	vpop (erf)  }
0xd5: {  	v3 =	vpop (erf);
	[tilespmem:s12+$0xFFFFFFD0] =	vst v8  }
0xd6: {  	v12 =	vpop (erf);
	[tilespmem:s12+$0xFFFFFFE0] =	vst v3  }
0xd7: {  	v4 =	vld [tilespmem:s13+$0xFFFFFFD0];
	v2 =	vpop (erf);
	[tilespmem:s12+$0xFFFFFFF0] =	vst v12;
	v13 =	vmul.f32 v17, v15  }
0xd8: {  	v9 =	vld [tilespmem:s13+$0xFFFFFFE0];
	v6 =	vpop (erf);
	[tilespmem:s12+$0x0] =	vst v2  }
0xd9: {  	[tilespmem:s12+$0x10] =	vst v6;
	v5 =	vld [tilespmem:s13+$0x0];
	v14 =	vpop (erf)  }
0xda: {  	v15 =	vld [tilespmem:s13+$0xFFFFFFF0];
	[tilespmem:s12+$0x20] =	vst v14  }
0xdb: {  	v11 =	vld [tilespmem:s13+$0x10];
	[tilespmem:s13+$0x30] =	vst v13;
	v13 =	vpop (erf)  }
0xdc: {  	v4 =	vmul.f32 v8, v4;
	v7 =	vld [tilespmem:s13+$0x20];
	[tilespmem:s12+$0xFFFFFFC0] =	vst v13  }
0xdd: {  	v3 =	vmul.f32 v3, v9;
	v10 =	vld [tilespmem:s13+$0xFFFFFFC0]  }
0xde: {  	[tilespmem:s13+$0xFFFFFFD0] =	vst v4;
	v2 =	vmul.f32 v2, v5  }
0xdf: {  	[tilespmem:s13+$0xFFFFFFE0] =	vst v3;
	v4 =	vmul.f32 v12, v15  }
0xe0: {  	v3 =	vmul.f32 v6, v11;
	[tilespmem:s13+$0x0] =	vst v2  }
0xe1: {  	[tilespmem:s13+$0xFFFFFFF0] =	vst v4;
	v4 =	vmul.f32 v14, v7  }
0xe2: {  	[tilespmem:s13+$0x10] =	vst v3;
	v10 =	vmul.f32 v13, v10  }
0xe3: {  	[tilespmem:s13+$0x20] =	vst v4  }
0xe4: {  	s20 =	simm.s32 $0x400;
	[tilespmem:s13+$0xFFFFFFC0] =	vst v10  }
0xe5: {  	[spmem:s3] =	stream.indirect.scatter.add.f32 [tilespmem:s20], [sflag:$0x3], $0x10, s28, s23, $0xb8;
	[tilespmem:$0x1FF00] =	vst v63  }
0xe6: {  	_ = 	snop  }
0xe7: {  	[spmem:s2] =	stream.indirect.scatter.add.f32 [tilespmem:s30], [sflag:$0x3], $0x10, s28, s23, $0xb8;
	[tilespmem:$0x1FF00] =	vst v63  }
0xe8: {  	_ =	swait.ge [sflag:s31], $0x1000  }
0xe9: {  	[sflag:s31] =	ssyncset.done $0x0  }
0xea: {  	[sflag:s31] =	ssyncadd.s32 $0xFFFFF000  }
0xeb: {  	_ =	swait.ge [sflag:s31], $0x1000  }
0xec: {  	[sflag:s31] =	ssyncset.done $0x0  }
0xed: {  	s12 =	simm.s32 @!p0 $0x1;
	[sflag:s31] =	ssyncadd.s32 $0xFFFFF000  }
0xee: {  	_ =	swait.ge @!p0 [sflag:s12], $0x100  }
0xef: {  	[sflag:s12] =	ssyncset.done @!p0 $0x0  }
0xf0: {  	[sflag:s12] =	ssyncadd.s32 @!p0 $0xFFFFFF00  }
0xf1: {  	_ =	swait.ge @!p0 [sflag:s12], $0x100  }
0xf2: {  	[sflag:s12] =	ssyncset.done @!p0 $0x0  }
0xf3: {  	[sflag:s12] =	ssyncadd.s32 @!p0 $0xFFFFFF00  }
0xf4: {  	v2 =	vld [tilespmem:$0x300]  }
0xf5: {  	v3 =	vld [tilespmem:$0x310]  }
0xf6: {  	v4 =	vld [tilespmem:$0x320]  }
0xf7: {  	v5 =	vld [tilespmem:$0x330]  }
0xf8: {  	v6 =	vld [tilespmem:$0x340]  }
0xf9: {  	[tilespmem:$0x6500] =	vst v2;
	v2 =	vld [tilespmem:$0x350]  }
0xfa: {  	[tilespmem:$0x6510] =	vst v3;
	v3 =	vld [tilespmem:$0x360]  }
0xfb: {  	[tilespmem:$0x6520] =	vst v4;
	v4 =	vld [tilespmem:$0x370]  }
0xfc: {  	[tilespmem:$0x6530] =	vst v5;
	v5 =	vld [tilespmem:$0x380]  }
0xfd: {  	[tilespmem:$0x6540] =	vst v6;
	v6 =	vld [tilespmem:$0x390]  }
0xfe: {  	[tilespmem:$0x6550] =	vst v2;
	v2 =	vld [tilespmem:$0x3A0]  }
0xff: {  	[tilespmem:$0x6560] =	vst v3;
	v3 =	vld [tilespmem:$0x3B0]  }
0x100: {  	[tilespmem:$0x6570] =	vst v4;
	v4 =	vld [tilespmem:$0x3C0]  }
0x101: {  	[tilespmem:$0x6580] =	vst v5;
	v5 =	vld [tilespmem:$0x3D0]  }
0x102: {  	[tilespmem:$0x6590] =	vst v6;
	v6 =	vld [tilespmem:$0x3E0]  }
0x103: {  	[tilespmem:$0x65A0] =	vst v2;
	v2 =	vld [tilespmem:$0x3F0]  }
0x104: {  	[tilespmem:$0x65B0] =	vst v3  }
0x105: {  	[tilespmem:$0x65C0] =	vst v4  }
0x106: {  	s11 =	sadd.s32 @!p0 s11, s15;
	[tilespmem:$0x65D0] =	vst v5  }
0x107: {  	s11 =	sshrl.u32 @!p0 s11, $0x3;
	[tilespmem:$0x65E0] =	vst v6  }
0x108: {  	s17 =	simm.s32 @!p0 $0x200;
	s13 =	simm.s32 @!p0 $0x0;
	s12 =	sadd.s32 @!p0 s6, s11;
	[tilespmem:$0x65F0] =	vst v2  }
0x109: {  	[tilespmem:s17], [sflag:$0x2] =	stream.linear.gather @!p0 [hbm4b:s12+s13], $0x100, $0x38;
	[tilespmem:$0x1FF00] =	vst v63  }
0x10a: {  	s25 =	simm.s32 $0x1440;
	s11 =	sadd.s32 @!p0 s7, s11;
	s12 =	simm.s32 @!p0 $0x300  }
0x10b: {  	[tilespmem:s12], [sflag:$0x2] =	stream.linear.gather @!p0 [hbm4b:s11+s13], $0x100, $0x38;
	[tilespmem:$0x1FF00] =	vst v63  }
0x10c: {  	s29 =	simm.s32 $0x3440;
	v2 =	vld [tilespmem:s25+$0x30]  }
0x10d: {  	v3 =	vld [tilespmem:s29+$0x30];
	_ =	sdelay $0x1  }
0x10e: {  	v4 =	vld [tilespmem:s29+$0xFFFFFFC0]  }
0x10f: {  	v5 =	vld [tilespmem:s25+$0xFFFFFFD0]  }
0x110: {  	v6 =	vld [tilespmem:s29+$0xFFFFFFD0]  }
0x111: {  	v7 =	vld [tilespmem:s29+$0xFFFFFFE0];
	v2 =	vadd.f32 v3, v2  }
0x112: {  	v9 =	vld [tilespmem:s25+$0xFFFFFFF0]  }
0x113: {  	v3 =	vld [tilespmem:s25+$0xFFFFFFE0];
	v8 =	vmul.f32 $2.000000030e-01, v2  }
0x114: {  	v10 =	vld [tilespmem:s29+$0xFFFFFFF0]  }
0x115: {  	v5 =	vadd.f32 v6, v5;
	v6 =	vld [tilespmem:s29+$0x0];
	v2 =	vmax.f32 v2, v8  }
0x116: {  	v8 =	vld [tilespmem:s25+$0x0];
	v2 =	vsub.f32 v2, v1  }
0x117: {  	v11 =	vld [tilespmem:s25+$0x10]  }
0x118: {  	v12 =	vmul.f32 $2.000000030e-01, v5;
	v3 =	vadd.f32 v7, v3;
	v7 =	vld [tilespmem:s29+$0x10];
	v2 =	vmul.f32 $1.442695020e+00, v2  }
0x119: {  	v13 =	vld [tilespmem:s25+$0x20];
	v9 =	vadd.f32 v10, v9  }
0x11a: {  	v10 =	vld [tilespmem:s29+$0x20];
	(erf) = vpow2.f32 v2;
	v2 =	vmax.f32 v5, v12;
	v5 =	vmul.f32 $2.000000030e-01, v3  }
0x11b: {  	v12 =	vld [tilespmem:s25+$0xFFFFFFC0];
	v6 =	vadd.f32 v6, v8  }
0x11c: {  	v2 =	vsub.f32 v2, v1;
	v3 =	vmax.f32 v3, v5;
	v5 =	vmul.f32 $2.000000030e-01, v9  }
0x11d: {  	v7 =	vadd.f32 v7, v11;
	v8 =	vmul.f32 $2.000000030e-01, v6  }
0x11e: {  	v2 =	vmul.f32 $1.442695020e+00, v2;
	v3 =	vsub.f32 v3, v1;
	v5 =	vmax.f32 v9, v5  }
0x11f: {  	v9 =	vadd.f32 v10, v13;
	v6 =	vmax.f32 v6, v8;
	v5 =	vsub.f32 v5, v1  }
0x120: {  	s11 =	simm.s32 $0x14C0;
	(erf) = vpow2.f32 v2;
	v2 =	vmul.f32 $2.000000030e-01, v7;
	v4 =	vadd.f32 v4, v12  }
0x121: {  	v14 =	vld [tilespmem:s11+$0xFFFFFFF0];
	v3 =	vmul.f32 $1.442695020e+00, v3;
	v6 =	vsub.f32 v6, v1;
	v8 =	vmul.f32 $2.000000030e-01, v9  }
0x122: {  	s13 =	simm.s32 $0x34C0;
	v10 =	vld [tilespmem:s11+$0x30];
	v5 =	vmul.f32 $1.442695020e+00, v5;
	v2 =	vmax.f32 v7, v2;
	v7 =	vmul.f32 $2.000000030e-01, v4  }
0x123: {  	(erf) = vpow2.f32 v3;
	v2 =	vsub.f32 v2, v1;
	v3 =	vmax.f32 v9, v8;
	v8 =	vld [tilespmem:s13+$0x30]  }
0x124: {  	v13 =	vld [tilespmem:s13+$0xFFFFFFE0];
	v6 =	vmul.f32 $1.442695020e+00, v6;
	v4 =	vmax.f32 v4, v7;
	v3 =	vsub.f32 v3, v1  }
0x125: {  	v12 =	vld [tilespmem:s11+$0xFFFFFFE0];
	(erf) = vpow2.f32 v5;
	v2 =	vmul.f32 $1.442695020e+00, v2;
	v4 =	vsub.f32 v4, v1  }
0x126: {  	v5 =	vld [tilespmem:s11+$0xFFFFFFD0];
	(erf) = vpow2.f32 v6;
	v3 =	vmul.f32 $1.442695020e+00, v3  }
0x127: {  	(erf) = vpow2.f32 v2;
	v2 =	vmul.f32 $1.442695020e+00, v4;
	v4 =	vld [tilespmem:s13+$0xFFFFFFD0]  }
0x128: {  	v15 =	vld [tilespmem:s11+$0x0];
	v8 =	vadd.f32 v8, v10  }
0x129: {  	v17 =	vld [tilespmem:s13+$0x0];
	(erf) = vpow2.f32 v3  }
0x12a: {  	v11 =	vpop (erf);
	v10 =	vld [tilespmem:s13+$0xFFFFFFF0];
	(erf) = vpow2.f32 v2;
	v16 =	vmul.f32 $2.000000030e-01, v8;
	_ =	sdelay $0x1  }
0x12b: {  	s12 =	simm.s32 $0x5440;
	v19 =	vld [tilespmem:s11+$0x10];
	[tilespmem:s25+$0x30] =	vst v11;
	v12 =	vadd.f32 v13, v12;
	v18 =	vadd.f32 v4, v5;
	v5 =	vmax.f32 v8, v16  }
0x12c: {  	v7 =	vld [tilespmem:s12+$0x30];
	v2 =	vpop (erf);
	v8 =	vsub.f32 v5, v1  }
0x12d: {  	v20 =	vld [tilespmem:s11+$0x20];
	v17 =	vadd.f32 v17, v15;
	v21 =	vmul.f32 $2.000000030e-01, v12;
	v3 =	vpop (erf);
	v16 =	vmul.f32 $2.000000030e-01, v18  }
0x12e: {  	v13 =	vld [tilespmem:s13+$0x10];
	v6 =	vpop (erf);
	v10 =	vadd.f32 v10, v14;
	v14 =	vmul.f32 $1.442695020e+00, v8  }
0x12f: {  	v22 =	vld [tilespmem:s13+$0x20];
	v23 =	vmul.f32 $2.000000030e-01, v17;
	v12 =	vmax.f32 v12, v21;
	v4 =	vpop (erf);
	v16 =	vmax.f32 v18, v16  }
0x130: {  	v9 =	vld [tilespmem:s13+$0xFFFFFFC0];
	v12 =	vsub.f32 v12, v1;
	[tilespmem:s25+$0xFFFFFFD0] =	vst v2;
	v5 =	vpop (erf);
	v16 =	vsub.f32 v16, v1;
	(erf) = vpow2.f32 v14  }
0x131: {  	v11 =	vmul.f32 v11, v7;
	[tilespmem:s25+$0xFFFFFFE0] =	vst v3;
	v21 =	vmul.f32 $2.000000030e-01, v10;
	v18 =	vld [tilespmem:s11+$0xFFFFFFC0];
	v7 =	vpop (erf)  }
0x132: {  	v25 =	vmul.f32 $1.442695020e+00, v12;
	[tilespmem:s25+$0xFFFFFFF0] =	vst v6;
	v12 =	vld [tilespmem:s12+$0xFFFFFFE0];
	v8 =	vpop (erf);
	v24 =	vmul.f32 $1.442695020e+00, v16  }
0x133: {  	v19 =	vadd.f32 v13, v19;
	v13 =	vld [tilespmem:s12+$0xFFFFFFF0];
	v10 =	vmax.f32 v10, v21;
	[tilespmem:s25+$0xFFFFFFC0] =	vst v8  }
0x134: {  	[tilespmem:s12+$0x30] =	vst v11;
	v21 =	vmax.f32 v17, v23;
	v17 =	vadd.f32 v22, v20;
	v15 =	vld [tilespmem:s12+$0xFFFFFFC0];
	(erf) = vpow2.f32 v24  }
0x135: {  	v14 =	vld [tilespmem:s12+$0xFFFFFFD0];
	v23 =	vmul.f32 $2.000000030e-01, v19;
	v10 =	vsub.f32 v10, v1;
	[tilespmem:s25+$0x20] =	vst v7  }
0x136: {  	[tilespmem:s25+$0x0] =	vst v4;
	v22 =	vsub.f32 v21, v1;
	v21 =	vmul.f32 $2.000000030e-01, v17;
	v11 =	vld [tilespmem:s12+$0x20];
	v16 =	vadd.f32 v9, v18  }
0x137: {  	s17 =	simm.s32 $0x5440;
	[tilespmem:s25+$0x10] =	vst v5;
	v23 =	vmax.f32 v19, v23;
	v18 =	vmul.f32 $1.442695020e+00, v10;
	v10 =	vld [tilespmem:s12+$0x0];
	(erf) = vpow2.f32 v25  }
0x138: {  	s20 =	simm.s32 $0x8;
	s25 =	simm.s32 $0x1540;
	v19 =	vmul.f32 $1.442695020e+00, v22;
	v22 =	vsub.f32 v23, v1;
	v9 =	vld [tilespmem:s12+$0x10];
	v20 =	vmul.f32 $2.000000030e-01, v16  }
.LBB2_9:
0x139: {  	v23 =	vld [tilespmem:s25+$0x30];
	v17 =	vmax.f32 v17, v21;
	s13 =	sadd.s32 $0x80, s13;
	(erf) = vpow2.f32 v18;
	v18 =	vpop (erf);
	v8 =	vmul.f32 v8, v15  }
0x13a: {  	s20 =	sadd.s32 $0x8, s20;
	s12 =	sadd.s32 $0x80, s12;
	v15 =	vld [tilespmem:s13+$0x30];
	v16 =	vmax.f32 v16, v20;
	v20 =	vmul.f32 $1.442695020e+00, v22;
	v17 =	vsub.f32 v17, v1;
	[tilespmem:s11+$0x30] =	vst v18  }
0x13b: {  	p0 =	slt.u32 s20, $0xF8;
	v16 =	vsub.f32 v16, v1;
	v21 =	vld [tilespmem:s12+$0x30];
	(erf) = vpow2.f32 v19;
	[tilespmem:s17+$0xFFFFFFC0] =	vst v8;
	v8 =	vmul.f32 v2, v14  }
0x13c: {  	v19 =	vld [tilespmem:s13+$0xFFFFFFC0];
	v14 =	vmul.f32 $1.442695020e+00, v17;
	(erf) = vpow2.f32 v20  }
0x13d: {  	v20 =	vmul.f32 v3, v12;
	v17 =	vld [tilespmem:s25+$0xFFFFFFD0];
	v16 =	vmul.f32 $1.442695020e+00, v16;
	v2 =	vpop (erf);
	[tilespmem:s17+$0xFFFFFFD0] =	vst v8  }
0x13e: {  	v6 =	vmul.f32 v6, v13;
	v8 =	vld [tilespmem:s13+$0xFFFFFFD0];
	[tilespmem:s11+$0xFFFFFFD0] =	vst v2;
	(erf) = vpow2.f32 v14  }
0x13f: {  	v10 =	vmul.f32 v4, v10;
	v12 =	vld [tilespmem:s25+$0xFFFFFFE0];
	v13 =	vadd.f32 v15, v23;
	(erf) = vpow2.f32 v16;
	[tilespmem:s17+$0xFFFFFFE0] =	vst v20  }
0x140: {  	v9 =	vmul.f32 v5, v9;
	v14 =	vld [tilespmem:s13+$0xFFFFFFE0];
	v4 =	vmul.f32 v18, v21;
	v3 =	vpop (erf);
	[tilespmem:s17+$0xFFFFFFF0] =	vst v6  }
0x141: {  	v11 =	vmul.f32 v7, v11;
	v15 =	vld [tilespmem:s25+$0xFFFFFFF0];
	v5 =	vmul.f32 $2.000000030e-01, v13;
	[tilespmem:s11+$0xFFFFFFE0] =	vst v3  }
0x142: {  	v7 =	vld [tilespmem:s13+$0xFFFFFFF0];
	[tilespmem:s12+$0x30] =	vst v4;
	v6 =	vpop (erf)  }
0x143: {  	v8 =	vadd.f32 v8, v17;
	v16 =	vld [tilespmem:s25+$0x0];
	v18 =	vmax.f32 v13, v5;
	[tilespmem:s11+$0xFFFFFFF0] =	vst v6  }
0x144: {  	v13 =	vld [tilespmem:s13+$0x0];
	v17 =	vsub.f32 v18, v1;
	v4 =	vpop (erf);
	[tilespmem:s17+$0x0] =	vst v10  }
0x145: {  	v10 =	vmul.f32 $2.000000030e-01, v8;
	v12 =	vadd.f32 v14, v12;
	v14 =	vld [tilespmem:s25+$0x10];
	[tilespmem:s11+$0x0] =	vst v4;
	v5 =	vpop (erf)  }
0x146: {  	v18 =	vld [tilespmem:s13+$0x10];
	v17 =	vmul.f32 $1.442695020e+00, v17;
	[tilespmem:s11+$0x10] =	vst v5  }
0x147: {  	v23 =	vmax.f32 v8, v10;
	v10 =	vmul.f32 $2.000000030e-01, v12;
	v20 =	vadd.f32 v7, v15;
	v21 =	vld [tilespmem:s25+$0x20];
	v7 =	vpop (erf);
	[tilespmem:s17+$0x10] =	vst v9  }
0x148: {  	v9 =	vsub.f32 v23, v1;
	v22 =	vld [tilespmem:s13+$0x20];
	(erf) = vpow2.f32 v17;
	[tilespmem:s11+$0x20] =	vst v7;
	v8 =	vpop (erf)  }
0x149: {  	v23 =	vld [tilespmem:s25+$0xFFFFFFC0];
	v10 =	vmax.f32 v12, v10;
	v12 =	vmul.f32 $2.000000030e-01, v20;
	v13 =	vadd.f32 v13, v16;
	[tilespmem:s11+$0xFFFFFFC0] =	vst v8;
	s11 =	smov.u32 s25  }
0x14a: {  	v9 =	vmul.f32 $1.442695020e+00, v9;
	v10 =	vsub.f32 v10, v1;
	v15 =	vld [tilespmem:s12+$0xFFFFFFC0];
	[tilespmem:s17+$0x20] =	vst v11;
	s17 =	smov.u32 s12  }
0x14b: {  	v11 =	vmax.f32 v20, v12;
	v16 =	vmul.f32 $2.000000030e-01, v13;
	v20 =	vadd.f32 v18, v14;
	v14 =	vld [tilespmem:s12+$0xFFFFFFD0]  }
.Ltmp3:
0x14c: {  	v24 =	vmul.f32 $1.442695020e+00, v10;
	v10 =	vsub.f32 v11, v1;
	(erf) = vpow2.f32 v9;
	v12 =	vld [tilespmem:s12+$0xFFFFFFE0];
	(pc) =	sbr.rel @p0 .LBB2_9-.Ltmp3, $4  }
0x14d: {  	v9 =	vmax.f32 v13, v16;
	v11 =	vmul.f32 $2.000000030e-01, v20;
	v17 =	vadd.f32 v22, v21;
	v13 =	vld [tilespmem:s12+$0xFFFFFFF0]  }
0x14e: {  	v16 =	vadd.f32 v19, v23;
	v18 =	vmul.f32 $1.442695020e+00, v10;
	v19 =	vsub.f32 v9, v1;
	v10 =	vld [tilespmem:s12+$0x0]  }
0x14f: {  	v11 =	vmax.f32 v20, v11;
	v21 =	vmul.f32 $2.000000030e-01, v17;
	(erf) = vpow2.f32 v24;
	v9 =	vld [tilespmem:s12+$0x10]  }
0x150: {  	s25 =	sadd.s32 $0x80, s25;
	v20 =	vmul.f32 $2.000000030e-01, v16;
	v19 =	vmul.f32 $1.442695020e+00, v19;
	v22 =	vsub.f32 v11, v1;
	v11 =	vld [tilespmem:s12+$0x20]  }
0x151: {  	(erf) = vpow2.f32 v18  }
0x152: {  	v17 =	vmax.f32 v17, v21;
	v8 =	vmul.f32 v8, v15;
	v2 =	vmul.f32 v2, v14  }
0x153: {  	v47 =	vpop (erf);
	v16 =	vmax.f32 v16, v20;
	v17 =	vsub.f32 v17, v1;
	v46 =	vmul.f32 $1.442695020e+00, v22  }
0x154: {  	(erf) = vpow2.f32 v19;
	[tilespmem:s11+$0x30] =	vst v47;
	v6 =	vmul.f32 v6, v13;
	v16 =	vsub.f32 v16, v1  }
0x155: {  	[tilespmem:s17+$0xFFFFFFD0] =	vst v2;
	v2 =	vmul.f32 v3, v12;
	v17 =	vmul.f32 $1.442695020e+00, v17  }
0x156: {  	[tilespmem:s17+$0xFFFFFFC0] =	vst v8;
	(erf) = vpow2.f32 v46;
	v16 =	vmul.f32 $1.442695020e+00, v16  }
0x157: {  	v4 =	vmul.f32 v4, v10;
	[tilespmem:s17+$0xFFFFFFF0] =	vst v6;
	(erf) = vpow2.f32 v17  }
0x158: {  	[tilespmem:s17+$0xFFFFFFE0] =	vst v2;
	(erf) = vpow2.f32 v16  }
0x159: {  	v5 =	vmul.f32 v5, v9;
	v49 =	vpop (erf);
	[tilespmem:s17+$0x0] =	vst v4  }
0x15a: {  	v7 =	vmul.f32 v7, v11;
	[tilespmem:s11+$0xFFFFFFD0] =	vst v49  }
0x15b: {  	s12 =	sadd.s32 $0x80, s12;
	[tilespmem:s17+$0x10] =	vst v5  }
0x15c: {  	v48 =	vld [tilespmem:s12+$0x30];
	[tilespmem:s17+$0x20] =	vst v7;
	v3 =	vpop (erf)  }
0x15d: {  	v56 =	vld [tilespmem:s12+$0xFFFFFFD0];
	[tilespmem:s11+$0xFFFFFFE0] =	vst v3;
	v50 =	vpop (erf)  }
0x15e: {  	v57 =	vld [tilespmem:s12+$0xFFFFFFE0];
	v2 =	vpop (erf);
	[tilespmem:s11+$0xFFFFFFF0] =	vst v50  }
0x15f: {  	[tilespmem:s11+$0x0] =	vst v2;
	v58 =	vld [tilespmem:s12+$0xFFFFFFF0];
	v52 =	vpop (erf)  }
0x160: {  	v59 =	vld [tilespmem:s12+$0x0];
	[tilespmem:s11+$0x10] =	vst v52;
	v53 =	vpop (erf)  }
0x161: {  	v51 =	vmul.f32 v47, v48;
	v60 =	vld [tilespmem:s12+$0x10];
	v54 =	vpop (erf);
	[tilespmem:s11+$0x20] =	vst v53  }
0x162: {  	v4 =	vmul.f32 v49, v56;
	[tilespmem:s11+$0xFFFFFFC0] =	vst v54;
	v61 =	vld [tilespmem:s12+$0x20]  }
0x163: {  	[tilespmem:s12+$0x30] =	vst v51;
	v3 =	vmul.f32 v3, v57;
	v55 =	vld [tilespmem:s12+$0xFFFFFFC0]  }
0x164: {  	[tilespmem:s12+$0xFFFFFFD0] =	vst v4;
	v62 =	vmul.f32 v50, v58  }
0x165: {  	[tilespmem:s12+$0xFFFFFFE0] =	vst v3;
	v2 =	vmul.f32 v2, v59  }
0x166: {  	[tilespmem:s12+$0xFFFFFFF0] =	vst v62;
	v3 =	vmul.f32 v52, v60  }
0x167: {  	s10 =	sadd.s32 $0x1, s10;
	[tilespmem:s12+$0x0] =	vst v2;
	v63 =	vmul.f32 v53, v61  }
0x168: {  	p0 =	sne.s32 s10, $0x31;
	[tilespmem:s12+$0x10] =	vst v3;
	v10 =	vmul.f32 v54, v55  }
.Ltmp4:
0x169: {  	[tilespmem:s12+$0x20] =	vst v63;
	(pc) =	sbr.rel @p0 .LBB2_6-.Ltmp4, $4  }
0x16a: {  	[tilespmem:s12+$0xFFFFFFC0] =	vst v10  }
0x16b: {  	[spmem:s3] =	stream.indirect.scatter.add.f32 [tilespmem:s5], [sflag:$0x4], $0x10, s0, s23, $0xb8;
	[tilespmem:$0x1FF00] =	vst v63  }
0x16c: {  	_ = 	snop  }
0x16d: {  	[spmem:s2] =	stream.indirect.scatter.add.f32 [tilespmem:s1], [sflag:$0x4], $0x10, s0, s23, $0xb8;
	[tilespmem:$0x1FF00] =	vst v63  }
0x16e: {  	s10 =	simm.s32 $0x4  }
0x16f: {  	_ =	swait.ge [sflag:s10], $0x1000  }
0x170: {  	[sflag:s10] =	ssyncset.done $0x0  }
0x171: {  	[sflag:s10] =	ssyncadd.s32 $0xFFFFF000  }
0x172: {  	_ =	swait.ge [sflag:s10], $0x1000  }
0x173: {  	[sflag:s10] =	ssyncset.done $0x0  }
0x174: {  	[sflag:s10] =	ssyncadd.s32 $0xFFFFF000  }
0x175: {  	s10 =	simm.s32 $0x0;
	[bflag:$0x0] =	sbarrier.arrive $0xFFFF  }
.LBB2_12:
0x176: {  	s11 =	smul.u32 $0x88, s10;
	_ =	sdelay $0x1  }
0x177: {  	s11 =	sadd.s32 s9, s11  }
0x178: {  	s12 =	sshll.u32 s11, $0x4  }
0x179: {  	s13 =	sadd.s32 s12, s2  }
0x17a: {  	[tilespmem:s22], [sflag:$0x5] =	stream.linear.gather [spmem:s13], $0x880, $0x38;
	[tilespmem:$0x1FF00] =	vst v63  }
0x17b: {  	_ =	swait.ge [sflag:s21], $0x880  }
0x17c: {  	[sflag:s21] =	ssyncset.done $0x0  }
0x17d: {  	s12 =	sadd.s32 s12, s3;
	[sflag:s21] =	ssyncadd.s32 $0xFFFFF780  }
0x17e: {  	[tilespmem:s24], [sflag:$0x5] =	stream.linear.gather [spmem:s12], $0x880, $0x38;
	[tilespmem:$0x1FF00] =	vst v63  }
0x17f: {  	_ =	swait.ge [sflag:s21], $0x880  }
0x180: {  	[sflag:s21] =	ssyncset.done $0x0  }
0x181: {  	s25 =	simm.s32 $0x6FC0;
	[sflag:s21] =	ssyncadd.s32 $0xFFFFF780  }
0x182: {  	v1 =	vld [tilespmem:s25+$0x30]  }
0x183: {  	v2 =	vld [tilespmem:s25+$0xFFFFFFC0]  }
0x184: {  	v3 =	vld [tilespmem:s25+$0xFFFFFFD0]  }
0x185: {  	v4 =	vld [tilespmem:s25+$0xFFFFFFE0]  }
0x186: {  	v5 =	vld [tilespmem:s25+$0xFFFFFFF0]  }
0x187: {  	v6 =	vld [tilespmem:s25+$0x0]  }
0x188: {  	v7 =	vld [tilespmem:s25+$0x10];
	v1 =	vadd.f32 $1.000000020e-16, v1  }
0x189: {  	s12 =	simm.s32 $0x6740;
	v8 =	vld [tilespmem:s25+$0x20];
	v2 =	vadd.f32 $1.000000020e-16, v2  }
0x18a: {  	s29 =	simm.s32 $0x7040;
	v9 =	vld [tilespmem:s12+$0x30];
	v3 =	vadd.f32 $1.000000020e-16, v3;
	(erf) = vrcp.f32 v1  }
0x18b: {  	v10 =	vld [tilespmem:s29+$0xFFFFFFC0];
	v1 =	vadd.f32 $1.000000020e-16, v4;
	(erf) = vrcp.f32 v2  }
0x18c: {  	v11 =	vld [tilespmem:s29+$0x0];
	v5 =	vadd.f32 $1.000000020e-16, v5;
	(erf) = vrcp.f32 v3  }
0x18d: {  	v6 =	vadd.f32 $1.000000020e-16, v6;
	(erf) = vrcp.f32 v1;
	v1 =	vld [tilespmem:s29+$0x30]  }
0x18e: {  	v7 =	vadd.f32 $1.000000020e-16, v7;
	(erf) = vrcp.f32 v5;
	v5 =	vld [tilespmem:s29+$0xFFFFFFD0]  }
0x18f: {  	v8 =	vadd.f32 $1.000000020e-16, v8;
	(erf) = vrcp.f32 v6;
	v6 =	vld [tilespmem:s29+$0xFFFFFFE0]  }
0x190: {  	(erf) = vrcp.f32 v7;
	v7 =	vld [tilespmem:s29+$0xFFFFFFF0]  }
0x191: {  	v2 =	vld [tilespmem:s12+$0xFFFFFFD0]  }
0x192: {  	v10 =	vadd.f32 $1.000000020e-16, v10;
	v3 =	vld [tilespmem:s12+$0xFFFFFFE0];
	v12 =	vadd.f32 $1.000000020e-16, v1  }
0x193: {  	v4 =	vld [tilespmem:s12+$0xFFFFFFF0];
	(erf) = vrcp.f32 v8;
	v8 =	vpop (erf);
	v5 =	vadd.f32 $1.000000020e-16, v5  }
0x194: {  	v13 =	vld [tilespmem:s29+$0x10];
	v1 =	vpop (erf);
	v8 =	vmul.f32 v8, v9;
	(erf) = vrcp.f32 v12  }
0x195: {  	v63 =	vld [tilespmem:s29+$0x20];
	v6 =	vadd.f32 $1.000000020e-16, v6;
	v9 =	vpop (erf);
	(erf) = vrcp.f32 v10;
	v7 =	vadd.f32 $1.000000020e-16, v7  }
0x196: {  	v2 =	vmul.f32 v9, v2;
	v9 =	vld [tilespmem:s12+$0x0];
	v8 =	vmax.f32 v8, $0.0e+00;
	v10 =	vpop (erf);
	(erf) = vrcp.f32 v5  }
0x197: {  	v14 =	vld [tilespmem:s12+$0x10];
	v3 =	vmul.f32 v10, v3;
	v10 =	vadd.f32 $1.000000020e-16, v11;
	(erf) = vrcp.f32 v6;
	v5 =	vpop (erf)  }
0x198: {  	v11 =	vld [tilespmem:s12+$0x20];
	(erf) = vrcp.f32 v7;
	v7 =	vmul.f32 v5, v4  }
0x199: {  	s13 =	simm.s32 $0x67C0;
	v13 =	vadd.f32 $1.000000020e-16, v13;
	v6 =	vld [tilespmem:s12+$0xFFFFFFC0]  }
0x19a: {  	v12 =	vadd.f32 $1.000000020e-16, v63;
	[tilespmem:s12+$0x30] =	vst v8;
	v2 =	vmax.f32 v2, $0.0e+00;
	v5 =	vld [tilespmem:s13+$0x30];
	v8 =	vpop (erf);
	(erf) = vrcp.f32 v10  }
0x19b: {  	v4 =	vld [tilespmem:s13+$0xFFFFFFD0];
	[tilespmem:s12+$0xFFFFFFD0] =	vst v2;
	v2 =	vmax.f32 v3, $0.0e+00;
	(erf) = vrcp.f32 v13;
	v10 =	vpop (erf);
	v9 =	vmul.f32 v8, v9  }
0x19c: {  	v3 =	vld [tilespmem:s13+$0xFFFFFFE0];
	[tilespmem:s12+$0xFFFFFFE0] =	vst v2;
	v2 =	vmax.f32 v7, $0.0e+00;
	(erf) = vrcp.f32 v12;
	v7 =	vpop (erf);
	v8 =	vmul.f32 v10, v14  }
0x19d: {  	s17 =	simm.s32 $0x8;
	s20 =	simm.s32 $0x70C0;
	[tilespmem:s12+$0xFFFFFFF0] =	vst v2;
	v2 =	vld [tilespmem:s13+$0xFFFFFFF0];
	v9 =	vmax.f32 v9, $0.0e+00;
	v7 =	vmul.f32 v7, v11  }
.LBB2_13:
0x19e: {  	v10 =	vld [tilespmem:s20+$0x30];
	s17 =	sadd.s32 $0x8, s17;
	v11 =	vpop (erf);
	v6 =	vmul.f32 v1, v6;
	[tilespmem:s12+$0x0] =	vst v9;
	v8 =	vmax.f32 v8, $0.0e+00  }
0x19f: {  	v9 =	vld [tilespmem:s20+$0xFFFFFFC0];
	p0 =	slt.u32 s17, $0x80;
	v13 =	vmul.f32 v11, v5;
	v1 =	vpop (erf);
	[tilespmem:s12+$0x10] =	vst v8;
	v7 =	vmax.f32 v7, $0.0e+00  }
0x1a0: {  	v8 =	vld [tilespmem:s20+$0xFFFFFFD0];
	v11 =	vpop (erf);
	v6 =	vmax.f32 v6, $0.0e+00;
	[tilespmem:s12+$0x20] =	vst v7  }
0x1a1: {  	v7 =	vld [tilespmem:s20+$0xFFFFFFE0];
	v4 =	vmul.f32 v11, v4;
	v13 =	vmax.f32 v13, $0.0e+00;
	v11 =	vpop (erf);
	[tilespmem:s12+$0xFFFFFFC0] =	vst v6;
	s12 =	smov.u32 s13  }
0x1a2: {  	v6 =	vld [tilespmem:s20+$0xFFFFFFF0];
	v3 =	vmul.f32 v11, v3;
	[tilespmem:s13+$0x30] =	vst v13;
	v5 =	vpop (erf)  }
0x1a3: {  	v11 =	vld [tilespmem:s20+$0x0];
	v14 =	vadd.f32 $1.000000020e-16, v10;
	v4 =	vmax.f32 v4, $0.0e+00;
	v2 =	vmul.f32 v5, v2;
	v12 =	vpop (erf)  }
0x1a4: {  	v5 =	vadd.f32 $1.000000020e-16, v9;
	v9 =	vld [tilespmem:s20+$0x10];
	[tilespmem:s13+$0xFFFFFFD0] =	vst v4;
	v3 =	vmax.f32 v3, $0.0e+00;
	v13 =	vpop (erf)  }
0x1a5: {  	v4 =	vadd.f32 $1.000000020e-16, v8;
	v8 =	vld [tilespmem:s20+$0x20];
	(erf) = vrcp.f32 v14;
	[tilespmem:s13+$0xFFFFFFE0] =	vst v3;
	v2 =	vmax.f32 v2, $0.0e+00;
	v10 =	vpop (erf)  }
0x1a6: {  	v3 =	vadd.f32 $1.000000020e-16, v7;
	(erf) = vrcp.f32 v5;
	[tilespmem:s13+$0xFFFFFFF0] =	vst v2;
	v2 =	vld [tilespmem:s13+$0x0]  }
0x1a7: {  	v5 =	vadd.f32 $1.000000020e-16, v6;
	(erf) = vrcp.f32 v4;
	v7 =	vld [tilespmem:s13+$0x10]  }
0x1a8: {  	v4 =	vadd.f32 $1.000000020e-16, v11;
	(erf) = vrcp.f32 v3;
	v11 =	vld [tilespmem:s13+$0x20]  }
.Ltmp5:
0x1a9: {  	s13 =	sadd.s32 $0x80, s13;
	v3 =	vadd.f32 $1.000000020e-16, v9;
	(erf) = vrcp.f32 v5;
	v6 =	vld [tilespmem:s12+$0xFFFFFFC0];
	(pc) =	sbr.rel @p0 .LBB2_13-.Ltmp5, $4  }
0x1aa: {  	v8 =	vadd.f32 $1.000000020e-16, v8;
	v5 =	vld [tilespmem:s13+$0x30];
	(erf) = vrcp.f32 v4  }
0x1ab: {  	v4 =	vld [tilespmem:s13+$0xFFFFFFD0];
	(erf) = vrcp.f32 v3;
	v9 =	vmul.f32 v12, v2  }
0x1ac: {  	v3 =	vld [tilespmem:s13+$0xFFFFFFE0];
	(erf) = vrcp.f32 v8;
	v8 =	vmul.f32 v13, v7  }
0x1ad: {  	s20 =	sadd.s32 $0x80, s20;
	v2 =	vld [tilespmem:s13+$0xFFFFFFF0];
	v9 =	vmax.f32 v9, $0.0e+00;
	v7 =	vmul.f32 v10, v11  }
0x1ae: {  	v10 =	vpop (erf)  }
0x1af: {  	v1 =	vmul.f32 v1, v6;
	v55 =	vpop (erf)  }
0x1b0: {  	v58 =	vpop (erf)  }
0x1b1: {  	[tilespmem:s12+$0x0] =	vst v9;
	v56 =	vld [tilespmem:s13+$0x0];
	v1 =	vmax.f32 v1, $0.0e+00;
	v60 =	vpop (erf)  }
0x1b2: {  	v54 =	vmax.f32 v8, $0.0e+00;
	v59 =	vld [tilespmem:s13+$0x10];
	v5 =	vmul.f32 v10, v5;
	[tilespmem:s12+$0xFFFFFFC0] =	vst v1;
	v1 =	vmul.f32 v60, v3;
	v3 =	vpop (erf)  }
0x1b3: {  	v61 =	vld [tilespmem:s13+$0x20];
	[tilespmem:s12+$0x10] =	vst v54;
	v57 =	vmax.f32 v7, $0.0e+00;
	v4 =	vmul.f32 v58, v4;
	v2 =	vmul.f32 v3, v2  }
0x1b4: {  	v62 =	vld [tilespmem:s13+$0xFFFFFFC0];
	[tilespmem:s12+$0x20] =	vst v57;
	v5 =	vmax.f32 v5, $0.0e+00  }
0x1b5: {  	[tilespmem:s13+$0x30] =	vst v5;
	v4 =	vmax.f32 v4, $0.0e+00;
	v3 =	vpop (erf)  }
0x1b6: {  	[tilespmem:s13+$0xFFFFFFD0] =	vst v4;
	v1 =	vmax.f32 v1, $0.0e+00;
	v63 =	vpop (erf);
	v3 =	vmul.f32 v3, v56  }
0x1b7: {  	[tilespmem:s13+$0xFFFFFFE0] =	vst v1;
	v1 =	vmax.f32 v2, $0.0e+00;
	v4 =	vmul.f32 v63, v59;
	v2 =	vpop (erf)  }
0x1b8: {  	[tilespmem:s13+$0xFFFFFFF0] =	vst v1;
	v1 =	vmax.f32 v3, $0.0e+00;
	v2 =	vmul.f32 v2, v61  }
0x1b9: {  	v3 =	vmul.f32 v55, v62;
	[tilespmem:s13+$0x0] =	vst v1;
	v1 =	vmax.f32 v4, $0.0e+00  }
0x1ba: {  	s11 =	sadd.s32 s16, s11;
	s10 =	sadd.s32 $0x1, s10;
	[tilespmem:s13+$0x10] =	vst v1;
	v1 =	vmax.f32 v2, $0.0e+00  }
0x1bb: {  	s11 =	sshll.u32 s11, $0x1;
	p0 =	sne.s32 s10, $0x17;
	v2 =	vmax.f32 v3, $0.0e+00;
	[tilespmem:s13+$0x20] =	vst v1  }
.Ltmp6:
0x1bc: {  	s11 =	sadd.s32 s8, s11;
	[tilespmem:s13+$0xFFFFFFC0] =	vst v2;
	(pc) =	sbr.rel @p0 .LBB2_12-.Ltmp6, $4  }
0x1bd: {  	[hbm4b:s11+s4] =	stream.linear.scatter [tilespmem:s22], [sflag:$0x5], $0x880, $0x38;
	[tilespmem:$0x1FF00] =	vst v63  }
0x1be: {  	_ =	swait.ge [sflag:s21], $0x880  }
0x1bf: {  	[sflag:s21] =	ssyncset.done $0x0  }
0x1c0: {  	[sflag:s21] =	ssyncadd.s32 $0xFFFFF780  }
0x1c1: {  	s11 =	rddreg [dreg:$0xa]  }
0x1c2: {  	s10 =	rddreg [dreg:$0x9];
	s11 =	sadd.s32 $0x1, s11  }
0x1c3: {  	p0 =	sne.s32 s11, s10  }
.Ltmp7:
0x1c4: {  	_ = 	snop;
	(pc) =	sbr.rel @p0 .LBB2_1-.Ltmp7, $1  }
0x1c5: {  	_ =	sdelay $0x3  }
0x1c6: {  	_ =	sfence.sel $0x180000  }
0x1c7: {  	[bflag:$0x0] =	sbarrier.arrive $0xFFFF  }
0x1c8: {  	_ =	strace $0x90000047  }
0x1c9: {  	s0 =	stileid.u32;
	[bflag:$0x2] =	sbarrier.arrive $0xFFFF  }
0x1ca: {  	p0 =	sne.s32 s0, $0x0;
	s0 =	rddreg [dreg:$0x4]  }
0x1cb: {  	s0 =	sadd.s32 @!p0 $0x100000, s0  }
0x1cc: {  	[sflag:s0] =	ssyncadd.tile.s32 @!p0 $0x1;
	_ =	shalt  }
.Lfunc_end2:
_tile_overlayer_lowered:
.L_overlay_start_2:
0x1cd: {  	(tag) =	ssettag $0x2  }
0x1ce: {  	s0 =	rddreg [dreg:$0x0];
	s2 =	stileid.u32  }
0x1cf: {  	s1 =	rddreg [dreg:$0x1];
	p0 =	sne.s32 s2, $0x0  }
0x1d0: {  	s3 =	rddreg [dreg:$0x2];
	[bflag:$0x3] =	sbarrier.arrive $0xFFFF;
	s2 =	simm.s32 @!p0 $0x1C05  }
0x1d1: {  	[timem:s3], [sflag:s2] =	dma.local @!p0 [hbm:s0], s1  }
0x1d2: {  	s0 =	simm.s32 @!p0 $0x5  }
0x1d3: {  	_ =	swait.ge @!p0 [sflag:s0], s1  }
0x1d4: {  	s1 =	ssub.s32 @!p0 $0x0, s1;
	[sflag:s0] =	ssyncset.done @!p0 $0x0  }
0x1d5: {  	[sflag:s0] =	ssyncadd.s32 @!p0 s1  }
0x1d6: {  	[bflag:$0x3] =	sbarrier.arrive $0xFFFF  }
0x1d7: {  	_ =	shalt  }

</sc_bundles>
